<compile_context>
chip_gen: v7x
topology: tpu7x:2x2x1
jax: 0.10.2.dev20260603
libtpu: 0.0.44.dev20260713+nightly
codegen_flags: <defaults>
</compile_context>

<pallas_src>
import functools

import jax
import jax.numpy as jnp
from jax import lax
from jax.experimental import pallas as pl
from jax.experimental.pallas import tpu as pltpu
from jax.experimental.pallas import tpu_sc as plsc

N = 1048576
K = 52428
NC, NS, L = 2, 16, 16
NW = NC * NS
CHUNK = N // NW
NB1 = 4096
NB2 = 256

_mesh = plsc.VectorSubcoreMesh(
    core_axis_name="c", subcore_axis_name="s", num_cores=NC, num_subcores=NS)
_sc_params = pltpu.CompilerParams(needs_layout_passes=False)


def _keys(v):
    b = lax.bitcast_convert_type(v, jnp.int32)
    return b ^ (lax.shift_right_arithmetic(b, 31) & jnp.int32(0x7FFFFFFF))


@functools.partial(
    pl.kernel,
    out_type=jax.ShapeDtypeStruct((NW, NB1), jnp.int32),
    mesh=_mesh,
    compiler_params=_sc_params,
    scratch_types=[
        pltpu.VMEM((CHUNK,), jnp.float32),
        pltpu.VMEM((L * NB1,), jnp.int32),
        pltpu.VMEM((NB1,), jnp.int32),
    ],
)
def _hist1(x_hbm, out_hbm, vals, hist, folded):
    wid = lax.axis_index("s") * NC + lax.axis_index("c")
    pltpu.sync_copy(x_hbm.at[pl.ds(wid * CHUNK, CHUNK)], vals)
    zeros = jnp.zeros((L,), jnp.int32)

    def zero_body(i, _):
        hist[pl.ds(pl.multiple_of(i * L, L), L)] = zeros
        return 0
    lax.fori_loop(0, (L * NB1) // L, zero_body, 0, unroll=4)

    lanes = lax.iota(jnp.int32, L) * NB1
    ones = jnp.ones((L,), jnp.int32)

    def body(i, _):
        v = vals[pl.ds(pl.multiple_of(i * L, L), L)]
        bkt = lax.shift_right_arithmetic(_keys(v), 20) + jnp.int32(NB1 // 2)
        plsc.addupdate_scatter(hist, [lanes + bkt], ones)
        return 0
    lax.fori_loop(0, CHUNK // L, body, 0, unroll=4)

    def fold_body(g, _):
        off = pl.multiple_of(g * L, L)
        acc = hist[pl.ds(off, L)]
        for lane in range(1, L):
            acc = acc + hist[pl.ds(lane * NB1 + off, L)]
        folded[pl.ds(off, L)] = acc
        return 0
    lax.fori_loop(0, NB1 // L, fold_body, 0)
    pltpu.sync_copy(folded, out_hbm.at[wid])


def _merge1_body(h_ref, o_ref):
    m = jnp.sum(h_ref[...], axis=0)
    g = (lax.broadcasted_iota(jnp.int32, (32, 128), 0) * 128
         + lax.broadcasted_iota(jnp.int32, (32, 128), 1))

    def f(bound):
        return jnp.sum(jnp.where(g < bound, m, 0))

    def step(_, lohi):
        lo, hi = lohi
        mid = (lo + hi) // 2
        c = f(mid)
        return (jnp.where(c >= K, lo, mid), jnp.where(c >= K, mid, hi))

    _, hi = lax.fori_loop(0, 12, step, (jnp.int32(0), jnp.int32(NB1)))
    b1 = hi - 1
    c1 = f(b1)
    row = lax.broadcasted_iota(jnp.int32, (8, 128), 0)
    o_ref[...] = jnp.where(row == 0, b1, c1)


@functools.partial(
    pl.kernel,
    out_type=(
        jax.ShapeDtypeStruct((NW, NB2), jnp.int32),
        jax.ShapeDtypeStruct((NW, NB2), jnp.float32),
        jax.ShapeDtypeStruct((NW, L), jnp.float32),
    ),
    mesh=_mesh,
    compiler_params=_sc_params,
    scratch_types=[
        pltpu.VMEM((CHUNK,), jnp.float32),
        pltpu.VMEM((L * NB2,), jnp.int32),
        pltpu.VMEM((L * NB2,), jnp.float32),
        pltpu.VMEM((NB2,), jnp.int32),
        pltpu.VMEM((NB2,), jnp.float32),
        pltpu.VMEM((L,), jnp.float32),
        pltpu.VMEM((L,), jnp.int32),
    ],
)
def _hist2(x_hbm, scal_hbm, cnt_out, sum_out, s1_out,
           vals, hc, hs, fc, fs, accv, scal_v):
    wid = lax.axis_index("s") * NC + lax.axis_index("c")
    pltpu.sync_copy(x_hbm.at[pl.ds(wid * CHUNK, CHUNK)], vals)
    pltpu.sync_copy(scal_hbm, scal_v)
    b1 = scal_v[...][0]

    zi = jnp.zeros((L,), jnp.int32)
    zf = jnp.zeros((L,), jnp.float32)

    def zero_body(i, _):
        off = pl.multiple_of(i * L, L)
        hc[pl.ds(off, L)] = zi
        hs[pl.ds(off, L)] = zf
        return 0
    lax.fori_loop(0, (L * NB2) // L, zero_body, 0, unroll=4)

    lanes = lax.iota(jnp.int32, L) * NB2
    ones = jnp.ones((L,), jnp.int32)

    def body(i, acc):
        v = vals[pl.ds(pl.multiple_of(i * L, L), L)]
        key = _keys(v)
        bkt = lax.shift_right_arithmetic(key, 20) + jnp.int32(NB1 // 2)
        acc = acc + jnp.where(bkt < b1, v, 0.0)
        m = bkt == b1
        d = lax.shift_right_arithmetic(key, 12) & jnp.int32(0xFF)
        plsc.addupdate_scatter(hc, [lanes + d], ones, mask=m)
        plsc.addupdate_scatter(hs, [lanes + d], v, mask=m)
        return acc
    acc = lax.fori_loop(0, CHUNK // L, body, zf, unroll=2)
    accv[...] = acc

    def fold_body(g, _):
        off = pl.multiple_of(g * L, L)
        ac = hc[pl.ds(off, L)]
        asum = hs[pl.ds(off, L)]
        for lane in range(1, L):
            ac = ac + hc[pl.ds(lane * NB2 + off, L)]
            asum = asum + hs[pl.ds(lane * NB2 + off, L)]
        fc[pl.ds(off, L)] = ac
        fs[pl.ds(off, L)] = asum
        return 0
    lax.fori_loop(0, NB2 // L, fold_body, 0)
    pltpu.sync_copy(fc, cnt_out.at[wid])
    pltpu.sync_copy(fs, sum_out.at[wid])
    pltpu.sync_copy(accv, s1_out.at[wid])


def _final_body(hc_ref, hs_ref, s1_ref, scal_ref, o_ref):
    hc = jnp.sum(hc_ref[...], axis=0)
    hs = jnp.sum(hs_ref[...], axis=0)
    g = (lax.broadcasted_iota(jnp.int32, (2, 128), 0) * 128
         + lax.broadcasted_iota(jnp.int32, (2, 128), 1))
    c1 = scal_ref[1, 0]
    r1 = jnp.int32(K) - c1

    def f2(bound):
        return jnp.sum(jnp.where(g < bound, hc, 0))

    def step(_, lohi):
        lo, hi = lohi
        mid = (lo + hi) // 2
        c = f2(mid)
        return (jnp.where(c >= r1, lo, mid), jnp.where(c >= r1, mid, hi))

    _, hi = lax.fori_loop(0, 8, step, (jnp.int32(0), jnp.int32(NB2)))
    b2 = hi - 1
    c2 = f2(b2)
    r2 = (r1 - c2).astype(jnp.float32)
    s2below = jnp.sum(jnp.where(g < b2, hs, 0.0))
    cntb = jnp.sum(jnp.where(g == b2, hc, 0)).astype(jnp.float32)
    sumb = jnp.sum(jnp.where(g == b2, hs, 0.0))
    s1 = jnp.sum(s1_ref[...])
    total = s1 + s2below + r2 * (sumb / cntb)
    o_ref[...] = jnp.full((8, 128), total * (1.0 / K), jnp.float32)


def kernel(portfolio_value):
    h1 = _hist1(portfolio_value)
    scal = pl.pallas_call(
        _merge1_body,
        out_shape=jax.ShapeDtypeStruct((8, 128), jnp.int32),
    )(h1.reshape(NW, 32, 128))
    scal_c = scal[0, 0:16]
    hc, hs, s1p = _hist2(portfolio_value, scal_c)
    out = pl.pallas_call(
        _final_body,
        out_shape=jax.ShapeDtypeStruct((8, 128), jnp.float32),
    )(hc.reshape(NW, 2, 128), hs.reshape(NW, 2, 128),
      s1p.reshape(4, 128), scal)
    return out[0, 0]

# --- scband reference (transcript-rebuilt; emitter-appended) ---
"""Pipeline reference for scband-tail-value-31069793419798 (READ-ONLY COPY).

The authoritative reference and input builder live on the scoring server;
editing this copy changes nothing except your own understanding.
"""

import jax, jax.numpy as jnp
import numpy as np

ALPHA = 0.05

def setup_inputs(seed: int = 0) -> dict:
    key = jax.random.key(seed)
    portfolio_value = jax.random.normal(key, (1048576,), dtype=jnp.float32)
    return {"portfolio_value": portfolio_value}

def reference(portfolio_value):
    # k = int(alpha * N)
    k = int(ALPHA * portfolio_value.shape[0])
    # torch.topk(k, largest=False).values == -top_k(-x, k).values
    neg_vals, _ = jax.lax.top_k(-portfolio_value, k)
    tail_values = -neg_vals
    return tail_values.mean()

if __name__ == "__main__":
    import jax
    _d = setup_inputs()
    print(jax.jit(kernel)(*tuple(_d.values())))

</pallas_src>

<mosaic_0001>
#map = affine_map<(d0, d1) -> (0)>
#map1 = affine_map<(d0, d1) -> (0, 0)>
module attributes {stable_mosaic.version = 14 : i64} {
  func.func @_hist2(%arg0: i32, %arg1: i32, %arg2: memref<1048576xf32, #tpu.memory_space<hbm>>, %arg3: memref<16xi32, #tpu.memory_space<hbm>>, %arg4: memref<32x256xi32, #tpu.memory_space<hbm>>, %arg5: memref<32x256xf32, #tpu.memory_space<hbm>>, %arg6: memref<32x16xf32, #tpu.memory_space<hbm>>, %arg7: memref<32768xf32, #tpu.memory_space<vmem>>, %arg8: memref<4096xi32, #tpu.memory_space<vmem>>, %arg9: memref<4096xf32, #tpu.memory_space<vmem>>, %arg10: memref<256xi32, #tpu.memory_space<vmem>>, %arg11: memref<256xf32, #tpu.memory_space<vmem>>, %arg12: memref<16xf32, #tpu.memory_space<vmem>>, %arg13: memref<16xi32, #tpu.memory_space<vmem>>) attributes {dimension_semantics = [#tpu.dimension_semantics<core_parallel>, #tpu.dimension_semantics<subcore_parallel>], iteration_bounds = array<i64: 2, 16>, scalar_prefetch = 0 : i64, scratch_operands = 7 : i64, tpu.core_type = #tpu.core_type<sc_vector_subcore>, window_params = [{transform_indices = #map}, {transform_indices = #map}, {transform_indices = #map1}, {transform_indices = #map1}, {transform_indices = #map1}]} {
    %mul3A = arith.constant 2 : i32
    %mul3A_0 = arith.muli %arg1, %mul3A : i32
    %add3A = arith.addi %mul3A_0, %arg0 : i32
    %mul3A_1 = arith.constant 32768 : i32
    %mul3A_2 = arith.muli %add3A, %mul3A_1 : i32
    "tpu.region"() ({
      %run_scoped3A = tpu.sem_alloc : memref<!tpu.dma_semaphore, #tpu.memory_space<semaphore_mem>>
      %dma_start3A = tpu.memref_slice %arg2[%mul3A_2] : memref<1048576xf32, #tpu.memory_space<hbm>> -> memref<32768xf32, #tpu.memory_space<hbm>>
      %dma_start3A_32 = tpu.memref_slice %arg2[%mul3A_2] : memref<1048576xf32, #tpu.memory_space<hbm>> -> memref<32768xf32, #tpu.memory_space<hbm>>
      tpu.enqueue_dma source(%dma_start3A_32 : memref<32768xf32, #tpu.memory_space<hbm>>) target(%arg7 : memref<32768xf32, #tpu.memory_space<vmem>>) target_semaphore(%run_scoped3A : memref<!tpu.dma_semaphore, #tpu.memory_space<semaphore_mem>>)
      %dma_wait3A = tpu.memref_slice %arg2[%mul3A_2] : memref<1048576xf32, #tpu.memory_space<hbm>> -> memref<32768xf32, #tpu.memory_space<hbm>>
      %dma_wait3A_33 = tpu.memref_slice %arg2[%mul3A_2] : memref<1048576xf32, #tpu.memory_space<hbm>> -> memref<32768xf32, #tpu.memory_space<hbm>>
      tpu.wait_dma2 semaphore(%run_scoped3A : memref<!tpu.dma_semaphore, #tpu.memory_space<semaphore_mem>>) src(%dma_wait3A_33 : memref<32768xf32, #tpu.memory_space<hbm>>) dst(%arg7 : memref<32768xf32, #tpu.memory_space<vmem>>)
      tpu.yield
    }) : () -> ()
    "tpu.region"() ({
      %run_scoped3A = tpu.sem_alloc : memref<!tpu.dma_semaphore, #tpu.memory_space<semaphore_mem>>
      tpu.enqueue_dma source(%arg3 : memref<16xi32, #tpu.memory_space<hbm>>) target(%arg13 : memref<16xi32, #tpu.memory_space<vmem>>) target_semaphore(%run_scoped3A : memref<!tpu.dma_semaphore, #tpu.memory_space<semaphore_mem>>)
      tpu.wait_dma2 semaphore(%run_scoped3A : memref<!tpu.dma_semaphore, #tpu.memory_space<semaphore_mem>>) src(%arg3 : memref<16xi32, #tpu.memory_space<hbm>>) dst(%arg13 : memref<16xi32, #tpu.memory_space<vmem>>)
      tpu.yield
    }) : () -> ()
    %get3A = arith.constant 0 : index
    %get3A_3 = tpu.vector_load %arg13[%get3A] {strides = array<i32>} : memref<16xi32, #tpu.memory_space<vmem>>, vector<16xi32>,
    %slice3A = vector.extract_strided_slice %get3A_3 {offsets = [0], sizes = [1], strides = [1]} : vector<16xi32> to vector<1xi32>
    %squeeze3A = vector.extract %slice3A[0] : i32 from vector<1xi32>
    %broadcast_in_dim3A = arith.constant 0 : i32
    %broadcast_in_dim3A_4 = vector.broadcast %broadcast_in_dim3A : i32 to vector<16xi32>
    %broadcast_in_dim3A_5 = arith.constant 0.000000e+00 : f32
    %broadcast_in_dim3A_6 = vector.broadcast %broadcast_in_dim3A_5 : f32 to vector<16xf32>
    %scan3A = arith.constant 0 : i32
    %scan3A_7 = arith.constant 0 : i32
    %scan3A_8 = arith.constant 256 : i32
    %scan3A_9 = arith.addi %scan3A_7, %scan3A_8 : i32
    %scan3A_10 = arith.constant 4 : i32
    %scan3A_11 = scf.for %scan3A_32 = %scan3A_7 to %scan3A_9 step %scan3A_10 iter_args(%scan3A_33 = %scan3A) -> (i32)  : i32 {
      %mul3A_34 = arith.constant 16 : i32
      %mul3A_35 = arith.muli %scan3A_32, %mul3A_34 : i32
      %multiple_of3A = tpu.assume_multiple %mul3A_35, 16 : i32
      %swap3A_36 = arith.index_cast %multiple_of3A : i32 to index
      %swap3A_37 = tpu.vector_load %arg8[%swap3A_36] {strides = array<i32>} : memref<4096xi32, #tpu.memory_space<vmem>>, vector<16xi32>,
      tpu.vector_store %arg8[%swap3A_36], %broadcast_in_dim3A_4 {strides = array<i32>} : memref<4096xi32, #tpu.memory_space<vmem>>, vector<16xi32>,
      %swap3A_38 = arith.index_cast %multiple_of3A : i32 to index
      %swap3A_39 = tpu.vector_load %arg9[%swap3A_38] {strides = array<i32>} : memref<4096xf32, #tpu.memory_space<vmem>>, vector<16xf32>,
      tpu.vector_store %arg9[%swap3A_38], %broadcast_in_dim3A_6 {strides = array<i32>} : memref<4096xf32, #tpu.memory_space<vmem>>, vector<16xf32>,
      %scan3A_40 = arith.constant 0 : i32
      %scan3A_41 = arith.constant 1 : i32
      %scan3A_42 = arith.addi %scan3A_32, %scan3A_41 : i32
      %mul3A_43 = arith.constant 16 : i32
      %mul3A_44 = arith.muli %scan3A_42, %mul3A_43 : i32
      %multiple_of3A_45 = tpu.assume_multiple %mul3A_44, 16 : i32
      %swap3A_46 = arith.index_cast %multiple_of3A_45 : i32 to index
      %swap3A_47 = tpu.vector_load %arg8[%swap3A_46] {strides = array<i32>} : memref<4096xi32, #tpu.memory_space<vmem>>, vector<16xi32>,
      tpu.vector_store %arg8[%swap3A_46], %broadcast_in_dim3A_4 {strides = array<i32>} : memref<4096xi32, #tpu.memory_space<vmem>>, vector<16xi32>,
      %swap3A_48 = arith.index_cast %multiple_of3A_45 : i32 to index
      %swap3A_49 = tpu.vector_load %arg9[%swap3A_48] {strides = array<i32>} : memref<4096xf32, #tpu.memory_space<vmem>>, vector<16xf32>,
      tpu.vector_store %arg9[%swap3A_48], %broadcast_in_dim3A_6 {strides = array<i32>} : memref<4096xf32, #tpu.memory_space<vmem>>, vector<16xf32>,
      %scan3A_50 = arith.constant 0 : i32
      %scan3A_51 = arith.constant 2 : i32
      %scan3A_52 = arith.addi %scan3A_32, %scan3A_51 : i32
      %mul3A_53 = arith.constant 16 : i32
      %mul3A_54 = arith.muli %scan3A_52, %mul3A_53 : i32
      %multiple_of3A_55 = tpu.assume_multiple %mul3A_54, 16 : i32
      %swap3A_56 = arith.index_cast %multiple_of3A_55 : i32 to index
      %swap3A_57 = tpu.vector_load %arg8[%swap3A_56] {strides = array<i32>} : memref<4096xi32, #tpu.memory_space<vmem>>, vector<16xi32>,
      tpu.vector_store %arg8[%swap3A_56], %broadcast_in_dim3A_4 {strides = array<i32>} : memref<4096xi32, #tpu.memory_space<vmem>>, vector<16xi32>,
      %swap3A_58 = arith.index_cast %multiple_of3A_55 : i32 to index
      %swap3A_59 = tpu.vector_load %arg9[%swap3A_58] {strides = array<i32>} : memref<4096xf32, #tpu.memory_space<vmem>>, vector<16xf32>,
      tpu.vector_store %arg9[%swap3A_58], %broadcast_in_dim3A_6 {strides = array<i32>} : memref<4096xf32, #tpu.memory_space<vmem>>, vector<16xf32>,
      %scan3A_60 = arith.constant 0 : i32
      %scan3A_61 = arith.constant 3 : i32
      %scan3A_62 = arith.addi %scan3A_32, %scan3A_61 : i32
      %mul3A_63 = arith.constant 16 : i32
      %mul3A_64 = arith.muli %scan3A_62, %mul3A_63 : i32
      %multiple_of3A_65 = tpu.assume_multiple %mul3A_64, 16 : i32
      %swap3A_66 = arith.index_cast %multiple_of3A_65 : i32 to index
      %swap3A_67 = tpu.vector_load %arg8[%swap3A_66] {strides = array<i32>} : memref<4096xi32, #tpu.memory_space<vmem>>, vector<16xi32>,
      tpu.vector_store %arg8[%swap3A_66], %broadcast_in_dim3A_4 {strides = array<i32>} : memref<4096xi32, #tpu.memory_space<vmem>>, vector<16xi32>,
      %swap3A_68 = arith.index_cast %multiple_of3A_65 : i32 to index
      %swap3A_69 = tpu.vector_load %arg9[%swap3A_68] {strides = array<i32>} : memref<4096xf32, #tpu.memory_space<vmem>>, vector<16xf32>,
      tpu.vector_store %arg9[%swap3A_68], %broadcast_in_dim3A_6 {strides = array<i32>} : memref<4096xf32, #tpu.memory_space<vmem>>, vector<16xf32>,
      %scan3A_70 = arith.constant 0 : i32
      scf.yield %scan3A_70 : i32
    }
    %scan3A_12 = arith.constant 256 : i32
    %iota3A = tpu.iota {dimensions = array<i32: 0>} : vector<16xi32>
    %mul3A_13 = arith.constant 256 : i32
    %mul3A_14 = vector.broadcast %mul3A_13 : i32 to vector<16xi32>
    %mul3A_15 = arith.muli %iota3A, %mul3A_14 : vector<16xi32>
    %broadcast_in_dim3A_16 = arith.constant 1 : i32
    %broadcast_in_dim3A_17 = vector.broadcast %broadcast_in_dim3A_16 : i32 to vector<16xi32>
    %scan3A_18 = arith.constant 0 : i32
    %scan3A_19 = arith.constant 2048 : i32
    %scan3A_20 = arith.addi %scan3A_18, %scan3A_19 : i32
    %scan3A_21 = arith.constant 2 : i32
    %scan3A_22 = scf.for %scan3A_32 = %scan3A_18 to %scan3A_20 step %scan3A_21 iter_args(%scan3A_33 = %broadcast_in_dim3A_6) -> (vector<16xf32>)  : i32 {
      %mul3A_34 = arith.constant 16 : i32
      %mul3A_35 = arith.muli %scan3A_32, %mul3A_34 : i32
      %multiple_of3A = tpu.assume_multiple %mul3A_35, 16 : i32
      %get3A_36 = arith.index_cast %multiple_of3A : i32 to index
      %get3A_37 = tpu.vector_load %arg7[%get3A_36] {strides = array<i32>} : memref<32768xf32, #tpu.memory_space<vmem>>, vector<16xf32>,
      %bitcast_convert_type3A = tpu.bitcast %get3A_37 : vector<16xf32> -> vector<16xi32>
      %shift_right_arithmetic3A = arith.constant 31 : i32
      %shift_right_arithmetic3A_38 = vector.broadcast %shift_right_arithmetic3A : i32 to vector<16xi32>
      %shift_right_arithmetic3A_39 = arith.shrsi %bitcast_convert_type3A, %shift_right_arithmetic3A_38 : vector<16xi32>
      %and3A = arith.constant 2147483647 : i32
      %and3A_40 = vector.broadcast %and3A : i32 to vector<16xi32>
      %and3A_41 = arith.andi %shift_right_arithmetic3A_39, %and3A_40 : vector<16xi32>
      %xor3A = arith.xori %bitcast_convert_type3A, %and3A_41 : vector<16xi32>
      %shift_right_arithmetic3A_42 = arith.constant 20 : i32
      %shift_right_arithmetic3A_43 = vector.broadcast %shift_right_arithmetic3A_42 : i32 to vector<16xi32>
      %shift_right_arithmetic3A_44 = arith.shrsi %xor3A, %shift_right_arithmetic3A_43 : vector<16xi32>
      %add3A_45 = arith.constant 2048 : i32
      %add3A_46 = vector.broadcast %add3A_45 : i32 to vector<16xi32>
      %add3A_47 = arith.addi %shift_right_arithmetic3A_44, %add3A_46 : vector<16xi32>
      %lt3A = vector.broadcast %squeeze3A : i32 to vector<16xi32>
      %lt3A_48 = arith.cmpi slt, %add3A_47, %lt3A : vector<16xi32>
      %jit3A = arith.constant 0.000000e+00 : f32
      %broadcast_in_dim3A_49 = vector.broadcast %jit3A : f32 to vector<16xf32>
      %select_n3A = arith.select %lt3A_48, %get3A_37, %broadcast_in_dim3A_49 : vector<16xi1>, vector<16xf32>
      %add3A_50 = arith.addf %scan3A_33, %select_n3A : vector<16xf32>
      %eq3A = vector.broadcast %squeeze3A : i32 to vector<16xi32>
      %eq3A_51 = arith.cmpi eq, %add3A_47, %eq3A : vector<16xi32>
      %shift_right_arithmetic3A_52 = arith.constant 12 : i32
      %shift_right_arithmetic3A_53 = vector.broadcast %shift_right_arithmetic3A_52 : i32 to vector<16xi32>
      %shift_right_arithmetic3A_54 = arith.shrsi %xor3A, %shift_right_arithmetic3A_53 : vector<16xi32>
      %and3A_55 = arith.constant 255 : i32
      %and3A_56 = vector.broadcast %and3A_55 : i32 to vector<16xi32>
      %and3A_57 = arith.andi %shift_right_arithmetic3A_54, %and3A_56 : vector<16xi32>
      %add3A_58 = arith.addi %mul3A_15, %and3A_57 : vector<16xi32>
      tpu.vector_store_idx %arg8[%add3A_58], %broadcast_in_dim3A_17 masked %eq3A_51 {add = true} : memref<4096xi32, #tpu.memory_space<vmem>>[vector<16xi32>], vector<16xi32>, vector<16xi1>
      %add3A_59 = arith.addi %mul3A_15, %and3A_57 : vector<16xi32>
      tpu.vector_store_idx %arg9[%add3A_59], %get3A_37 masked %eq3A_51 {add = true} : memref<4096xf32, #tpu.memory_space<vmem>>[vector<16xi32>], vector<16xf32>, vector<16xi1>
      %scan3A_60 = arith.constant 1 : i32
      %scan3A_61 = arith.addi %scan3A_32, %scan3A_60 : i32
      %mul3A_62 = arith.constant 16 : i32
      %mul3A_63 = arith.muli %scan3A_61, %mul3A_62 : i32
      %multiple_of3A_64 = tpu.assume_multiple %mul3A_63, 16 : i32
      %get3A_65 = arith.index_cast %multiple_of3A_64 : i32 to index
      %get3A_66 = tpu.vector_load %arg7[%get3A_65] {strides = array<i32>} : memref<32768xf32, #tpu.memory_space<vmem>>, vector<16xf32>,
      %bitcast_convert_type3A_67 = tpu.bitcast %get3A_66 : vector<16xf32> -> vector<16xi32>
      %shift_right_arithmetic3A_68 = arith.constant 31 : i32
      %shift_right_arithmetic3A_69 = vector.broadcast %shift_right_arithmetic3A_68 : i32 to vector<16xi32>
      %shift_right_arithmetic3A_70 = arith.shrsi %bitcast_convert_type3A_67, %shift_right_arithmetic3A_69 : vector<16xi32>
      %and3A_71 = arith.constant 2147483647 : i32
      %and3A_72 = vector.broadcast %and3A_71 : i32 to vector<16xi32>
      %and3A_73 = arith.andi %shift_right_arithmetic3A_70, %and3A_72 : vector<16xi32>
      %xor3A_74 = arith.xori %bitcast_convert_type3A_67, %and3A_73 : vector<16xi32>
      %shift_right_arithmetic3A_75 = arith.constant 20 : i32
      %shift_right_arithmetic3A_76 = vector.broadcast %shift_right_arithmetic3A_75 : i32 to vector<16xi32>
      %shift_right_arithmetic3A_77 = arith.shrsi %xor3A_74, %shift_right_arithmetic3A_76 : vector<16xi32>
      %add3A_78 = arith.constant 2048 : i32
      %add3A_79 = vector.broadcast %add3A_78 : i32 to vector<16xi32>
      %add3A_80 = arith.addi %shift_right_arithmetic3A_77, %add3A_79 : vector<16xi32>
      %lt3A_81 = vector.broadcast %squeeze3A : i32 to vector<16xi32>
      %lt3A_82 = arith.cmpi slt, %add3A_80, %lt3A_81 : vector<16xi32>
      %jit3A_83 = arith.constant 0.000000e+00 : f32
      %broadcast_in_dim3A_84 = vector.broadcast %jit3A_83 : f32 to vector<16xf32>
      %select_n3A_85 = arith.select %lt3A_82, %get3A_66, %broadcast_in_dim3A_84 : vector<16xi1>, vector<16xf32>
      %add3A_86 = arith.addf %add3A_50, %select_n3A_85 : vector<16xf32>
      %eq3A_87 = vector.broadcast %squeeze3A : i32 to vector<16xi32>
      %eq3A_88 = arith.cmpi eq, %add3A_80, %eq3A_87 : vector<16xi32>
      %shift_right_arithmetic3A_89 = arith.constant 12 : i32
      %shift_right_arithmetic3A_90 = vector.broadcast %shift_right_arithmetic3A_89 : i32 to vector<16xi32>
      %shift_right_arithmetic3A_91 = arith.shrsi %xor3A_74, %shift_right_arithmetic3A_90 : vector<16xi32>
      %and3A_92 = arith.constant 255 : i32
      %and3A_93 = vector.broadcast %and3A_92 : i32 to vector<16xi32>
      %and3A_94 = arith.andi %shift_right_arithmetic3A_91, %and3A_93 : vector<16xi32>
      %add3A_95 = arith.addi %mul3A_15, %and3A_94 : vector<16xi32>
      tpu.vector_store_idx %arg8[%add3A_95], %broadcast_in_dim3A_17 masked %eq3A_88 {add = true} : memref<4096xi32, #tpu.memory_space<vmem>>[vector<16xi32>], vector<16xi32>, vector<16xi1>
      %add3A_96 = arith.addi %mul3A_15, %and3A_94 : vector<16xi32>
      tpu.vector_store_idx %arg9[%add3A_96], %get3A_66 masked %eq3A_88 {add = true} : memref<4096xf32, #tpu.memory_space<vmem>>[vector<16xi32>], vector<16xf32>, vector<16xi1>
      scf.yield %add3A_86 : vector<16xf32>
    }
    %scan3A_23 = arith.constant 2048 : i32
    %swap3A = arith.constant 0 : index
    %swap3A_24 = tpu.vector_load %arg12[%swap3A] {strides = array<i32>} : memref<16xf32, #tpu.memory_space<vmem>>, vector<16xf32>,
    tpu.vector_store %arg12[%swap3A], %scan3A_22 {strides = array<i32>} : memref<16xf32, #tpu.memory_space<vmem>>, vector<16xf32>,
    %scan3A_25 = arith.constant 0 : i32
    %scan3A_26 = arith.constant 0 : i32
    %scan3A_27 = arith.constant 16 : i32
    %scan3A_28 = arith.addi %scan3A_26, %scan3A_27 : i32
    %scan3A_29 = arith.constant 1 : i32
    %scan3A_30 = scf.for %scan3A_32 = %scan3A_26 to %scan3A_28 step %scan3A_29 iter_args(%scan3A_33 = %scan3A_25) -> (i32)  : i32 {
      %mul3A_34 = arith.constant 16 : i32
      %mul3A_35 = arith.muli %scan3A_32, %mul3A_34 : i32
      %multiple_of3A = tpu.assume_multiple %mul3A_35, 16 : i32
      %get3A_36 = arith.index_cast %multiple_of3A : i32 to index
      %get3A_37 = tpu.vector_load %arg8[%get3A_36] {strides = array<i32>} : memref<4096xi32, #tpu.memory_space<vmem>>, vector<16xi32>,
      %get3A_38 = arith.index_cast %multiple_of3A : i32 to index
      %get3A_39 = tpu.vector_load %arg9[%get3A_38] {strides = array<i32>} : memref<4096xf32, #tpu.memory_space<vmem>>, vector<16xf32>,
      %add3A_40 = arith.constant 256 : i32
      %add3A_41 = arith.addi %add3A_40, %multiple_of3A : i32
      %get3A_42 = arith.index_cast %add3A_41 : i32 to index
      %get3A_43 = tpu.vector_load %arg8[%get3A_42] {strides = array<i32>} : memref<4096xi32, #tpu.memory_space<vmem>>, vector<16xi32>,
      %add3A_44 = arith.addi %get3A_37, %get3A_43 : vector<16xi32>
      %add3A_45 = arith.constant 256 : i32
      %add3A_46 = arith.addi %add3A_45, %multiple_of3A : i32
      %get3A_47 = arith.index_cast %add3A_46 : i32 to index
      %get3A_48 = tpu.vector_load %arg9[%get3A_47] {strides = array<i32>} : memref<4096xf32, #tpu.memory_space<vmem>>, vector<16xf32>,
      %add3A_49 = arith.addf %get3A_39, %get3A_48 : vector<16xf32>
      %add3A_50 = arith.constant 512 : i32
      %add3A_51 = arith.addi %add3A_50, %multiple_of3A : i32
      %get3A_52 = arith.index_cast %add3A_51 : i32 to index
      %get3A_53 = tpu.vector_load %arg8[%get3A_52] {strides = array<i32>} : memref<4096xi32, #tpu.memory_space<vmem>>, vector<16xi32>,
      %add3A_54 = arith.addi %add3A_44, %get3A_53 : vector<16xi32>
      %add3A_55 = arith.constant 512 : i32
      %add3A_56 = arith.addi %add3A_55, %multiple_of3A : i32
      %get3A_57 = arith.index_cast %add3A_56 : i32 to index
      %get3A_58 = tpu.vector_load %arg9[%get3A_57] {strides = array<i32>} : memref<4096xf32, #tpu.memory_space<vmem>>, vector<16xf32>,
      %add3A_59 = arith.addf %add3A_49, %get3A_58 : vector<16xf32>
      %add3A_60 = arith.constant 768 : i32
      %add3A_61 = arith.addi %add3A_60, %multiple_of3A : i32
      %get3A_62 = arith.index_cast %add3A_61 : i32 to index
      %get3A_63 = tpu.vector_load %arg8[%get3A_62] {strides = array<i32>} : memref<4096xi32, #tpu.memory_space<vmem>>, vector<16xi32>,
      %add3A_64 = arith.addi %add3A_54, %get3A_63 : vector<16xi32>
      %add3A_65 = arith.constant 768 : i32
      %add3A_66 = arith.addi %add3A_65, %multiple_of3A : i32
      %get3A_67 = arith.index_cast %add3A_66 : i32 to index
      %get3A_68 = tpu.vector_load %arg9[%get3A_67] {strides = array<i32>} : memref<4096xf32, #tpu.memory_space<vmem>>, vector<16xf32>,
      %add3A_69 = arith.addf %add3A_59, %get3A_68 : vector<16xf32>
      %add3A_70 = arith.constant 1024 : i32
      %add3A_71 = arith.addi %add3A_70, %multiple_of3A : i32
      %get3A_72 = arith.index_cast %add3A_71 : i32 to index
      %get3A_73 = tpu.vector_load %arg8[%get3A_72] {strides = array<i32>} : memref<4096xi32, #tpu.memory_space<vmem>>, vector<16xi32>,
      %add3A_74 = arith.addi %add3A_64, %get3A_73 : vector<16xi32>
      %add3A_75 = arith.constant 1024 : i32
      %add3A_76 = arith.addi %add3A_75, %multiple_of3A : i32
      %get3A_77 = arith.index_cast %add3A_76 : i32 to index
      %get3A_78 = tpu.vector_load %arg9[%get3A_77] {strides = array<i32>} : memref<4096xf32, #tpu.memory_space<vmem>>, vector<16xf32>,
      %add3A_79 = arith.addf %add3A_69, %get3A_78 : vector<16xf32>
      %add3A_80 = arith.constant 1280 : i32
      %add3A_81 = arith.addi %add3A_80, %multiple_of3A : i32
      %get3A_82 = arith.index_cast %add3A_81 : i32 to index
      %get3A_83 = tpu.vector_load %arg8[%get3A_82] {strides = array<i32>} : memref<4096xi32, #tpu.memory_space<vmem>>, vector<16xi32>,
      %add3A_84 = arith.addi %add3A_74, %get3A_83 : vector<16xi32>
      %add3A_85 = arith.constant 1280 : i32
      %add3A_86 = arith.addi %add3A_85, %multiple_of3A : i32
      %get3A_87 = arith.index_cast %add3A_86 : i32 to index
      %get3A_88 = tpu.vector_load %arg9[%get3A_87] {strides = array<i32>} : memref<4096xf32, #tpu.memory_space<vmem>>, vector<16xf32>,
      %add3A_89 = arith.addf %add3A_79, %get3A_88 : vector<16xf32>
      %add3A_90 = arith.constant 1536 : i32
      %add3A_91 = arith.addi %add3A_90, %multiple_of3A : i32
      %get3A_92 = arith.index_cast %add3A_91 : i32 to index
      %get3A_93 = tpu.vector_load %arg8[%get3A_92] {strides = array<i32>} : memref<4096xi32, #tpu.memory_space<vmem>>, vector<16xi32>,
      %add3A_94 = arith.addi %add3A_84, %get3A_93 : vector<16xi32>
      %add3A_95 = arith.constant 1536 : i32
      %add3A_96 = arith.addi %add3A_95, %multiple_of3A : i32
      %get3A_97 = arith.index_cast %add3A_96 : i32 to index
      %get3A_98 = tpu.vector_load %arg9[%get3A_97] {strides = array<i32>} : memref<4096xf32, #tpu.memory_space<vmem>>, vector<16xf32>,
      %add3A_99 = arith.addf %add3A_89, %get3A_98 : vector<16xf32>
      %add3A_100 = arith.constant 1792 : i32
      %add3A_101 = arith.addi %add3A_100, %multiple_of3A : i32
      %get3A_102 = arith.index_cast %add3A_101 : i32 to index
      %get3A_103 = tpu.vector_load %arg8[%get3A_102] {strides = array<i32>} : memref<4096xi32, #tpu.memory_space<vmem>>, vector<16xi32>,
      %add3A_104 = arith.addi %add3A_94, %get3A_103 : vector<16xi32>
      %add3A_105 = arith.constant 1792 : i32
      %add3A_106 = arith.addi %add3A_105, %multiple_of3A : i32
      %get3A_107 = arith.index_cast %add3A_106 : i32 to index
      %get3A_108 = tpu.vector_load %arg9[%get3A_107] {strides = array<i32>} : memref<4096xf32, #tpu.memory_space<vmem>>, vector<16xf32>,
      %add3A_109 = arith.addf %add3A_99, %get3A_108 : vector<16xf32>
      %add3A_110 = arith.constant 2048 : i32
      %add3A_111 = arith.addi %add3A_110, %multiple_of3A : i32
      %get3A_112 = arith.index_cast %add3A_111 : i32 to index
      %get3A_113 = tpu.vector_load %arg8[%get3A_112] {strides = array<i32>} : memref<4096xi32, #tpu.memory_space<vmem>>, vector<16xi32>,
      %add3A_114 = arith.addi %add3A_104, %get3A_113 : vector<16xi32>
      %add3A_115 = arith.constant 2048 : i32
      %add3A_116 = arith.addi %add3A_115, %multiple_of3A : i32
      %get3A_117 = arith.index_cast %add3A_116 : i32 to index
      %get3A_118 = tpu.vector_load %arg9[%get3A_117] {strides = array<i32>} : memref<4096xf32, #tpu.memory_space<vmem>>, vector<16xf32>,
      %add3A_119 = arith.addf %add3A_109, %get3A_118 : vector<16xf32>
      %add3A_120 = arith.constant 2304 : i32
      %add3A_121 = arith.addi %add3A_120, %multiple_of3A : i32
      %get3A_122 = arith.index_cast %add3A_121 : i32 to index
      %get3A_123 = tpu.vector_load %arg8[%get3A_122] {strides = array<i32>} : memref<4096xi32, #tpu.memory_space<vmem>>, vector<16xi32>,
      %add3A_124 = arith.addi %add3A_114, %get3A_123 : vector<16xi32>
      %add3A_125 = arith.constant 2304 : i32
      %add3A_126 = arith.addi %add3A_125, %multiple_of3A : i32
      %get3A_127 = arith.index_cast %add3A_126 : i32 to index
      %get3A_128 = tpu.vector_load %arg9[%get3A_127] {strides = array<i32>} : memref<4096xf32, #tpu.memory_space<vmem>>, vector<16xf32>,
      %add3A_129 = arith.addf %add3A_119, %get3A_128 : vector<16xf32>
      %add3A_130 = arith.constant 2560 : i32
      %add3A_131 = arith.addi %add3A_130, %multiple_of3A : i32
      %get3A_132 = arith.index_cast %add3A_131 : i32 to index
      %get3A_133 = tpu.vector_load %arg8[%get3A_132] {strides = array<i32>} : memref<4096xi32, #tpu.memory_space<vmem>>, vector<16xi32>,
      %add3A_134 = arith.addi %add3A_124, %get3A_133 : vector<16xi32>
      %add3A_135 = arith.constant 2560 : i32
      %add3A_136 = arith.addi %add3A_135, %multiple_of3A : i32
      %get3A_137 = arith.index_cast %add3A_136 : i32 to index
      %get3A_138 = tpu.vector_load %arg9[%get3A_137] {strides = array<i32>} : memref<4096xf32, #tpu.memory_space<vmem>>, vector<16xf32>,
      %add3A_139 = arith.addf %add3A_129, %get3A_138 : vector<16xf32>
      %add3A_140 = arith.constant 2816 : i32
      %add3A_141 = arith.addi %add3A_140, %multiple_of3A : i32
      %get3A_142 = arith.index_cast %add3A_141 : i32 to index
      %get3A_143 = tpu.vector_load %arg8[%get3A_142] {strides = array<i32>} : memref<4096xi32, #tpu.memory_space<vmem>>, vector<16xi32>,
      %add3A_144 = arith.addi %add3A_134, %get3A_143 : vector<16xi32>
      %add3A_145 = arith.constant 2816 : i32
      %add3A_146 = arith.addi %add3A_145, %multiple_of3A : i32
      %get3A_147 = arith.index_cast %add3A_146 : i32 to index
      %get3A_148 = tpu.vector_load %arg9[%get3A_147] {strides = array<i32>} : memref<4096xf32, #tpu.memory_space<vmem>>, vector<16xf32>,
      %add3A_149 = arith.addf %add3A_139, %get3A_148 : vector<16xf32>
      %add3A_150 = arith.constant 3072 : i32
      %add3A_151 = arith.addi %add3A_150, %multiple_of3A : i32
      %get3A_152 = arith.index_cast %add3A_151 : i32 to index
      %get3A_153 = tpu.vector_load %arg8[%get3A_152] {strides = array<i32>} : memref<4096xi32, #tpu.memory_space<vmem>>, vector<16xi32>,
      %add3A_154 = arith.addi %add3A_144, %get3A_153 : vector<16xi32>
      %add3A_155 = arith.constant 3072 : i32
      %add3A_156 = arith.addi %add3A_155, %multiple_of3A : i32
      %get3A_157 = arith.index_cast %add3A_156 : i32 to index
      %get3A_158 = tpu.vector_load %arg9[%get3A_157] {strides = array<i32>} : memref<4096xf32, #tpu.memory_space<vmem>>, vector<16xf32>,
      %add3A_159 = arith.addf %add3A_149, %get3A_158 : vector<16xf32>
      %add3A_160 = arith.constant 3328 : i32
      %add3A_161 = arith.addi %add3A_160, %multiple_of3A : i32
      %get3A_162 = arith.index_cast %add3A_161 : i32 to index
      %get3A_163 = tpu.vector_load %arg8[%get3A_162] {strides = array<i32>} : memref<4096xi32, #tpu.memory_space<vmem>>, vector<16xi32>,
      %add3A_164 = arith.addi %add3A_154, %get3A_163 : vector<16xi32>
      %add3A_165 = arith.constant 3328 : i32
      %add3A_166 = arith.addi %add3A_165, %multiple_of3A : i32
      %get3A_167 = arith.index_cast %add3A_166 : i32 to index
      %get3A_168 = tpu.vector_load %arg9[%get3A_167] {strides = array<i32>} : memref<4096xf32, #tpu.memory_space<vmem>>, vector<16xf32>,
      %add3A_169 = arith.addf %add3A_159, %get3A_168 : vector<16xf32>
      %add3A_170 = arith.constant 3584 : i32
      %add3A_171 = arith.addi %add3A_170, %multiple_of3A : i32
      %get3A_172 = arith.index_cast %add3A_171 : i32 to index
      %get3A_173 = tpu.vector_load %arg8[%get3A_172] {strides = array<i32>} : memref<4096xi32, #tpu.memory_space<vmem>>, vector<16xi32>,
      %add3A_174 = arith.addi %add3A_164, %get3A_173 : vector<16xi32>
      %add3A_175 = arith.constant 3584 : i32
      %add3A_176 = arith.addi %add3A_175, %multiple_of3A : i32
      %get3A_177 = arith.index_cast %add3A_176 : i32 to index
      %get3A_178 = tpu.vector_load %arg9[%get3A_177] {strides = array<i32>} : memref<4096xf32, #tpu.memory_space<vmem>>, vector<16xf32>,
      %add3A_179 = arith.addf %add3A_169, %get3A_178 : vector<16xf32>
      %add3A_180 = arith.constant 3840 : i32
      %add3A_181 = arith.addi %add3A_180, %multiple_of3A : i32
      %get3A_182 = arith.index_cast %add3A_181 : i32 to index
      %get3A_183 = tpu.vector_load %arg8[%get3A_182] {strides = array<i32>} : memref<4096xi32, #tpu.memory_space<vmem>>, vector<16xi32>,
      %add3A_184 = arith.addi %add3A_174, %get3A_183 : vector<16xi32>
      %add3A_185 = arith.constant 3840 : i32
      %add3A_186 = arith.addi %add3A_185, %multiple_of3A : i32
      %get3A_187 = arith.index_cast %add3A_186 : i32 to index
      %get3A_188 = tpu.vector_load %arg9[%get3A_187] {strides = array<i32>} : memref<4096xf32, #tpu.memory_space<vmem>>, vector<16xf32>,
      %add3A_189 = arith.addf %add3A_179, %get3A_188 : vector<16xf32>
      %swap3A_190 = arith.index_cast %multiple_of3A : i32 to index
      %swap3A_191 = tpu.vector_load %arg10[%swap3A_190] {strides = array<i32>} : memref<256xi32, #tpu.memory_space<vmem>>, vector<16xi32>,
      tpu.vector_store %arg10[%swap3A_190], %add3A_184 {strides = array<i32>} : memref<256xi32, #tpu.memory_space<vmem>>, vector<16xi32>,
      %swap3A_192 = arith.index_cast %multiple_of3A : i32 to index
      %swap3A_193 = tpu.vector_load %arg11[%swap3A_192] {strides = array<i32>} : memref<256xf32, #tpu.memory_space<vmem>>, vector<16xf32>,
      tpu.vector_store %arg11[%swap3A_192], %add3A_189 {strides = array<i32>} : memref<256xf32, #tpu.memory_space<vmem>>, vector<16xf32>,
      %scan3A_194 = arith.constant 0 : i32
      scf.yield %scan3A_194 : i32
    }
    %scan3A_31 = arith.constant 16 : i32
    "tpu.region"() ({
      %run_scoped3A = tpu.sem_alloc : memref<!tpu.dma_semaphore, #tpu.memory_space<semaphore_mem>>
      %dma_start3A = arith.constant 0 : i32
      %dma_start3A_32 = tpu.memref_slice %arg4[%add3A, %dma_start3A] : memref<32x256xi32, #tpu.memory_space<hbm>> -> memref<1x256xi32, #tpu.memory_space<hbm>>
      %dma_start3A_33 = tpu.memref_squeeze %dma_start3A_32 : memref<1x256xi32, #tpu.memory_space<hbm>> -> memref<256xi32, #tpu.memory_space<hbm>>
      %dma_start3A_34 = arith.constant 0 : i32
      %dma_start3A_35 = tpu.memref_slice %arg4[%add3A, %dma_start3A_34] : memref<32x256xi32, #tpu.memory_space<hbm>> -> memref<1x256xi32, #tpu.memory_space<hbm>>
      %dma_start3A_36 = tpu.memref_squeeze %dma_start3A_35 : memref<1x256xi32, #tpu.memory_space<hbm>> -> memref<256xi32, #tpu.memory_space<hbm>>
      tpu.enqueue_dma source(%arg10 : memref<256xi32, #tpu.memory_space<vmem>>) target(%dma_start3A_36 : memref<256xi32, #tpu.memory_space<hbm>>) target_semaphore(%run_scoped3A : memref<!tpu.dma_semaphore, #tpu.memory_space<semaphore_mem>>)
      %dma_wait3A = arith.constant 0 : i32
      %dma_wait3A_37 = tpu.memref_slice %arg4[%add3A, %dma_wait3A] : memref<32x256xi32, #tpu.memory_space<hbm>> -> memref<1x256xi32, #tpu.memory_space<hbm>>
      %dma_wait3A_38 = tpu.memref_squeeze %dma_wait3A_37 : memref<1x256xi32, #tpu.memory_space<hbm>> -> memref<256xi32, #tpu.memory_space<hbm>>
      %dma_wait3A_39 = arith.constant 0 : i32
      %dma_wait3A_40 = tpu.memref_slice %arg4[%add3A, %dma_wait3A_39] : memref<32x256xi32, #tpu.memory_space<hbm>> -> memref<1x256xi32, #tpu.memory_space<hbm>>
      %dma_wait3A_41 = tpu.memref_squeeze %dma_wait3A_40 : memref<1x256xi32, #tpu.memory_space<hbm>> -> memref<256xi32, #tpu.memory_space<hbm>>
      tpu.wait_dma2 semaphore(%run_scoped3A : memref<!tpu.dma_semaphore, #tpu.memory_space<semaphore_mem>>) src(%arg10 : memref<256xi32, #tpu.memory_space<vmem>>) dst(%dma_wait3A_41 : memref<256xi32, #tpu.memory_space<hbm>>)
      tpu.yield
    }) : () -> ()
    "tpu.region"() ({
      %run_scoped3A = tpu.sem_alloc : memref<!tpu.dma_semaphore, #tpu.memory_space<semaphore_mem>>
      %dma_start3A = arith.constant 0 : i32
      %dma_start3A_32 = tpu.memref_slice %arg5[%add3A, %dma_start3A] : memref<32x256xf32, #tpu.memory_space<hbm>> -> memref<1x256xf32, #tpu.memory_space<hbm>>
      %dma_start3A_33 = tpu.memref_squeeze %dma_start3A_32 : memref<1x256xf32, #tpu.memory_space<hbm>> -> memref<256xf32, #tpu.memory_space<hbm>>
      %dma_start3A_34 = arith.constant 0 : i32
      %dma_start3A_35 = tpu.memref_slice %arg5[%add3A, %dma_start3A_34] : memref<32x256xf32, #tpu.memory_space<hbm>> -> memref<1x256xf32, #tpu.memory_space<hbm>>
      %dma_start3A_36 = tpu.memref_squeeze %dma_start3A_35 : memref<1x256xf32, #tpu.memory_space<hbm>> -> memref<256xf32, #tpu.memory_space<hbm>>
      tpu.enqueue_dma source(%arg11 : memref<256xf32, #tpu.memory_space<vmem>>) target(%dma_start3A_36 : memref<256xf32, #tpu.memory_space<hbm>>) target_semaphore(%run_scoped3A : memref<!tpu.dma_semaphore, #tpu.memory_space<semaphore_mem>>)
      %dma_wait3A = arith.constant 0 : i32
      %dma_wait3A_37 = tpu.memref_slice %arg5[%add3A, %dma_wait3A] : memref<32x256xf32, #tpu.memory_space<hbm>> -> memref<1x256xf32, #tpu.memory_space<hbm>>
      %dma_wait3A_38 = tpu.memref_squeeze %dma_wait3A_37 : memref<1x256xf32, #tpu.memory_space<hbm>> -> memref<256xf32, #tpu.memory_space<hbm>>
      %dma_wait3A_39 = arith.constant 0 : i32
      %dma_wait3A_40 = tpu.memref_slice %arg5[%add3A, %dma_wait3A_39] : memref<32x256xf32, #tpu.memory_space<hbm>> -> memref<1x256xf32, #tpu.memory_space<hbm>>
      %dma_wait3A_41 = tpu.memref_squeeze %dma_wait3A_40 : memref<1x256xf32, #tpu.memory_space<hbm>> -> memref<256xf32, #tpu.memory_space<hbm>>
      tpu.wait_dma2 semaphore(%run_scoped3A : memref<!tpu.dma_semaphore, #tpu.memory_space<semaphore_mem>>) src(%arg11 : memref<256xf32, #tpu.memory_space<vmem>>) dst(%dma_wait3A_41 : memref<256xf32, #tpu.memory_space<hbm>>)
      tpu.yield
    }) : () -> ()
    "tpu.region"() ({
      %run_scoped3A = tpu.sem_alloc : memref<!tpu.dma_semaphore, #tpu.memory_space<semaphore_mem>>
      %dma_start3A = arith.constant 0 : i32
      %dma_start3A_32 = tpu.memref_slice %arg6[%add3A, %dma_start3A] : memref<32x16xf32, #tpu.memory_space<hbm>> -> memref<1x16xf32, #tpu.memory_space<hbm>>
      %dma_start3A_33 = tpu.memref_squeeze %dma_start3A_32 : memref<1x16xf32, #tpu.memory_space<hbm>> -> memref<16xf32, #tpu.memory_space<hbm>>
      %dma_start3A_34 = arith.constant 0 : i32
      %dma_start3A_35 = tpu.memref_slice %arg6[%add3A, %dma_start3A_34] : memref<32x16xf32, #tpu.memory_space<hbm>> -> memref<1x16xf32, #tpu.memory_space<hbm>>
      %dma_start3A_36 = tpu.memref_squeeze %dma_start3A_35 : memref<1x16xf32, #tpu.memory_space<hbm>> -> memref<16xf32, #tpu.memory_space<hbm>>
      tpu.enqueue_dma source(%arg12 : memref<16xf32, #tpu.memory_space<vmem>>) target(%dma_start3A_36 : memref<16xf32, #tpu.memory_space<hbm>>) target_semaphore(%run_scoped3A : memref<!tpu.dma_semaphore, #tpu.memory_space<semaphore_mem>>)
      %dma_wait3A = arith.constant 0 : i32
      %dma_wait3A_37 = tpu.memref_slice %arg6[%add3A, %dma_wait3A] : memref<32x16xf32, #tpu.memory_space<hbm>> -> memref<1x16xf32, #tpu.memory_space<hbm>>
      %dma_wait3A_38 = tpu.memref_squeeze %dma_wait3A_37 : memref<1x16xf32, #tpu.memory_space<hbm>> -> memref<16xf32, #tpu.memory_space<hbm>>
      %dma_wait3A_39 = arith.constant 0 : i32
      %dma_wait3A_40 = tpu.memref_slice %arg6[%add3A, %dma_wait3A_39] : memref<32x16xf32, #tpu.memory_space<hbm>> -> memref<1x16xf32, #tpu.memory_space<hbm>>
      %dma_wait3A_41 = tpu.memref_squeeze %dma_wait3A_40 : memref<1x16xf32, #tpu.memory_space<hbm>> -> memref<16xf32, #tpu.memory_space<hbm>>
      tpu.wait_dma2 semaphore(%run_scoped3A : memref<!tpu.dma_semaphore, #tpu.memory_space<semaphore_mem>>) src(%arg12 : memref<16xf32, #tpu.memory_space<vmem>>) dst(%dma_wait3A_41 : memref<16xf32, #tpu.memory_space<hbm>>)
      tpu.yield
    }) : () -> ()
    return
  }
}

#map = affine_map<(d0, d1) -> (0)>
#map1 = affine_map<(d0, d1) -> (0, 0)>
module attributes {stable_mosaic.version = 14 : i64} {
  func.func @_hist1(%arg0: i32, %arg1: i32, %arg2: memref<1048576xf32, #tpu.memory_space<hbm>>, %arg3: memref<32x4096xi32, #tpu.memory_space<hbm>>, %arg4: memref<32768xf32, #tpu.memory_space<vmem>>, %arg5: memref<65536xi32, #tpu.memory_space<vmem>>, %arg6: memref<4096xi32, #tpu.memory_space<vmem>>) attributes {dimension_semantics = [#tpu.dimension_semantics<core_parallel>, #tpu.dimension_semantics<subcore_parallel>], iteration_bounds = array<i64: 2, 16>, scalar_prefetch = 0 : i64, scratch_operands = 3 : i64, tpu.core_type = #tpu.core_type<sc_vector_subcore>, window_params = [{transform_indices = #map}, {transform_indices = #map1}]} {
    %mul3A = arith.constant 2 : i32
    %mul3A_0 = arith.muli %arg1, %mul3A : i32
    %add3A = arith.addi %mul3A_0, %arg0 : i32
    %mul3A_1 = arith.constant 32768 : i32
    %mul3A_2 = arith.muli %add3A, %mul3A_1 : i32
    "tpu.region"() ({
      %run_scoped3A = tpu.sem_alloc : memref<!tpu.dma_semaphore, #tpu.memory_space<semaphore_mem>>
      %dma_start3A = tpu.memref_slice %arg2[%mul3A_2] : memref<1048576xf32, #tpu.memory_space<hbm>> -> memref<32768xf32, #tpu.memory_space<hbm>>
      %dma_start3A_29 = tpu.memref_slice %arg2[%mul3A_2] : memref<1048576xf32, #tpu.memory_space<hbm>> -> memref<32768xf32, #tpu.memory_space<hbm>>
      tpu.enqueue_dma source(%dma_start3A_29 : memref<32768xf32, #tpu.memory_space<hbm>>) target(%arg4 : memref<32768xf32, #tpu.memory_space<vmem>>) target_semaphore(%run_scoped3A : memref<!tpu.dma_semaphore, #tpu.memory_space<semaphore_mem>>)
      %dma_wait3A = tpu.memref_slice %arg2[%mul3A_2] : memref<1048576xf32, #tpu.memory_space<hbm>> -> memref<32768xf32, #tpu.memory_space<hbm>>
      %dma_wait3A_30 = tpu.memref_slice %arg2[%mul3A_2] : memref<1048576xf32, #tpu.memory_space<hbm>> -> memref<32768xf32, #tpu.memory_space<hbm>>
      tpu.wait_dma2 semaphore(%run_scoped3A : memref<!tpu.dma_semaphore, #tpu.memory_space<semaphore_mem>>) src(%dma_wait3A_30 : memref<32768xf32, #tpu.memory_space<hbm>>) dst(%arg4 : memref<32768xf32, #tpu.memory_space<vmem>>)
      tpu.yield
    }) : () -> ()
    %broadcast_in_dim3A = arith.constant 0 : i32
    %broadcast_in_dim3A_3 = vector.broadcast %broadcast_in_dim3A : i32 to vector<16xi32>
    %scan3A = arith.constant 0 : i32
    %scan3A_4 = arith.constant 0 : i32
    %scan3A_5 = arith.constant 4096 : i32
    %scan3A_6 = arith.addi %scan3A_4, %scan3A_5 : i32
    %scan3A_7 = arith.constant 4 : i32
    %scan3A_8 = scf.for %scan3A_29 = %scan3A_4 to %scan3A_6 step %scan3A_7 iter_args(%scan3A_30 = %scan3A) -> (i32)  : i32 {
      %mul3A_31 = arith.constant 16 : i32
      %mul3A_32 = arith.muli %scan3A_29, %mul3A_31 : i32
      %multiple_of3A = tpu.assume_multiple %mul3A_32, 16 : i32
      %swap3A = arith.index_cast %multiple_of3A : i32 to index
      %swap3A_33 = tpu.vector_load %arg5[%swap3A] {strides = array<i32>} : memref<65536xi32, #tpu.memory_space<vmem>>, vector<16xi32>,
      tpu.vector_store %arg5[%swap3A], %broadcast_in_dim3A_3 {strides = array<i32>} : memref<65536xi32, #tpu.memory_space<vmem>>, vector<16xi32>,
      %scan3A_34 = arith.constant 0 : i32
      %scan3A_35 = arith.constant 1 : i32
      %scan3A_36 = arith.addi %scan3A_29, %scan3A_35 : i32
      %mul3A_37 = arith.constant 16 : i32
      %mul3A_38 = arith.muli %scan3A_36, %mul3A_37 : i32
      %multiple_of3A_39 = tpu.assume_multiple %mul3A_38, 16 : i32
      %swap3A_40 = arith.index_cast %multiple_of3A_39 : i32 to index
      %swap3A_41 = tpu.vector_load %arg5[%swap3A_40] {strides = array<i32>} : memref<65536xi32, #tpu.memory_space<vmem>>, vector<16xi32>,
      tpu.vector_store %arg5[%swap3A_40], %broadcast_in_dim3A_3 {strides = array<i32>} : memref<65536xi32, #tpu.memory_space<vmem>>, vector<16xi32>,
      %scan3A_42 = arith.constant 0 : i32
      %scan3A_43 = arith.constant 2 : i32
      %scan3A_44 = arith.addi %scan3A_29, %scan3A_43 : i32
      %mul3A_45 = arith.constant 16 : i32
      %mul3A_46 = arith.muli %scan3A_44, %mul3A_45 : i32
      %multiple_of3A_47 = tpu.assume_multiple %mul3A_46, 16 : i32
      %swap3A_48 = arith.index_cast %multiple_of3A_47 : i32 to index
      %swap3A_49 = tpu.vector_load %arg5[%swap3A_48] {strides = array<i32>} : memref<65536xi32, #tpu.memory_space<vmem>>, vector<16xi32>,
      tpu.vector_store %arg5[%swap3A_48], %broadcast_in_dim3A_3 {strides = array<i32>} : memref<65536xi32, #tpu.memory_space<vmem>>, vector<16xi32>,
      %scan3A_50 = arith.constant 0 : i32
      %scan3A_51 = arith.constant 3 : i32
      %scan3A_52 = arith.addi %scan3A_29, %scan3A_51 : i32
      %mul3A_53 = arith.constant 16 : i32
      %mul3A_54 = arith.muli %scan3A_52, %mul3A_53 : i32
      %multiple_of3A_55 = tpu.assume_multiple %mul3A_54, 16 : i32
      %swap3A_56 = arith.index_cast %multiple_of3A_55 : i32 to index
      %swap3A_57 = tpu.vector_load %arg5[%swap3A_56] {strides = array<i32>} : memref<65536xi32, #tpu.memory_space<vmem>>, vector<16xi32>,
      tpu.vector_store %arg5[%swap3A_56], %broadcast_in_dim3A_3 {strides = array<i32>} : memref<65536xi32, #tpu.memory_space<vmem>>, vector<16xi32>,
      %scan3A_58 = arith.constant 0 : i32
      scf.yield %scan3A_58 : i32
    }
    %scan3A_9 = arith.constant 4096 : i32
    %iota3A = tpu.iota {dimensions = array<i32: 0>} : vector<16xi32>
    %mul3A_10 = arith.constant 4096 : i32
    %mul3A_11 = vector.broadcast %mul3A_10 : i32 to vector<16xi32>
    %mul3A_12 = arith.muli %iota3A, %mul3A_11 : vector<16xi32>
    %broadcast_in_dim3A_13 = arith.constant 1 : i32
    %broadcast_in_dim3A_14 = vector.broadcast %broadcast_in_dim3A_13 : i32 to vector<16xi32>
    %scan3A_15 = arith.constant 0 : i32
    %scan3A_16 = arith.constant 0 : i32
    %scan3A_17 = arith.constant 2048 : i32
    %scan3A_18 = arith.addi %scan3A_16, %scan3A_17 : i32
    %scan3A_19 = arith.constant 4 : i32
    %scan3A_20 = scf.for %scan3A_29 = %scan3A_16 to %scan3A_18 step %scan3A_19 iter_args(%scan3A_30 = %scan3A_15) -> (i32)  : i32 {
      %mul3A_31 = arith.constant 16 : i32
      %mul3A_32 = arith.muli %scan3A_29, %mul3A_31 : i32
      %multiple_of3A = tpu.assume_multiple %mul3A_32, 16 : i32
      %get3A = arith.index_cast %multiple_of3A : i32 to index
      %get3A_33 = tpu.vector_load %arg4[%get3A] {strides = array<i32>} : memref<32768xf32, #tpu.memory_space<vmem>>, vector<16xf32>,
      %bitcast_convert_type3A = tpu.bitcast %get3A_33 : vector<16xf32> -> vector<16xi32>
      %shift_right_arithmetic3A = arith.constant 31 : i32
      %shift_right_arithmetic3A_34 = vector.broadcast %shift_right_arithmetic3A : i32 to vector<16xi32>
      %shift_right_arithmetic3A_35 = arith.shrsi %bitcast_convert_type3A, %shift_right_arithmetic3A_34 : vector<16xi32>
      %and3A = arith.constant 2147483647 : i32
      %and3A_36 = vector.broadcast %and3A : i32 to vector<16xi32>
      %and3A_37 = arith.andi %shift_right_arithmetic3A_35, %and3A_36 : vector<16xi32>
      %xor3A = arith.xori %bitcast_convert_type3A, %and3A_37 : vector<16xi32>
      %shift_right_arithmetic3A_38 = arith.constant 20 : i32
      %shift_right_arithmetic3A_39 = vector.broadcast %shift_right_arithmetic3A_38 : i32 to vector<16xi32>
      %shift_right_arithmetic3A_40 = arith.shrsi %xor3A, %shift_right_arithmetic3A_39 : vector<16xi32>
      %add3A_41 = arith.constant 2048 : i32
      %add3A_42 = vector.broadcast %add3A_41 : i32 to vector<16xi32>
      %add3A_43 = arith.addi %shift_right_arithmetic3A_40, %add3A_42 : vector<16xi32>
      %add3A_44 = arith.addi %mul3A_12, %add3A_43 : vector<16xi32>
      tpu.vector_store_idx %arg5[%add3A_44], %broadcast_in_dim3A_14 {add = true} : memref<65536xi32, #tpu.memory_space<vmem>>[vector<16xi32>], vector<16xi32>,
      %scan3A_45 = arith.constant 0 : i32
      %scan3A_46 = arith.constant 1 : i32
      %scan3A_47 = arith.addi %scan3A_29, %scan3A_46 : i32
      %mul3A_48 = arith.constant 16 : i32
      %mul3A_49 = arith.muli %scan3A_47, %mul3A_48 : i32
      %multiple_of3A_50 = tpu.assume_multiple %mul3A_49, 16 : i32
      %get3A_51 = arith.index_cast %multiple_of3A_50 : i32 to index
      %get3A_52 = tpu.vector_load %arg4[%get3A_51] {strides = array<i32>} : memref<32768xf32, #tpu.memory_space<vmem>>, vector<16xf32>,
      %bitcast_convert_type3A_53 = tpu.bitcast %get3A_52 : vector<16xf32> -> vector<16xi32>
      %shift_right_arithmetic3A_54 = arith.constant 31 : i32
      %shift_right_arithmetic3A_55 = vector.broadcast %shift_right_arithmetic3A_54 : i32 to vector<16xi32>
      %shift_right_arithmetic3A_56 = arith.shrsi %bitcast_convert_type3A_53, %shift_right_arithmetic3A_55 : vector<16xi32>
      %and3A_57 = arith.constant 2147483647 : i32
      %and3A_58 = vector.broadcast %and3A_57 : i32 to vector<16xi32>
      %and3A_59 = arith.andi %shift_right_arithmetic3A_56, %and3A_58 : vector<16xi32>
      %xor3A_60 = arith.xori %bitcast_convert_type3A_53, %and3A_59 : vector<16xi32>
      %shift_right_arithmetic3A_61 = arith.constant 20 : i32
      %shift_right_arithmetic3A_62 = vector.broadcast %shift_right_arithmetic3A_61 : i32 to vector<16xi32>
      %shift_right_arithmetic3A_63 = arith.shrsi %xor3A_60, %shift_right_arithmetic3A_62 : vector<16xi32>
      %add3A_64 = arith.constant 2048 : i32
      %add3A_65 = vector.broadcast %add3A_64 : i32 to vector<16xi32>
      %add3A_66 = arith.addi %shift_right_arithmetic3A_63, %add3A_65 : vector<16xi32>
      %add3A_67 = arith.addi %mul3A_12, %add3A_66 : vector<16xi32>
      tpu.vector_store_idx %arg5[%add3A_67], %broadcast_in_dim3A_14 {add = true} : memref<65536xi32, #tpu.memory_space<vmem>>[vector<16xi32>], vector<16xi32>,
      %scan3A_68 = arith.constant 0 : i32
      %scan3A_69 = arith.constant 2 : i32
      %scan3A_70 = arith.addi %scan3A_29, %scan3A_69 : i32
      %mul3A_71 = arith.constant 16 : i32
      %mul3A_72 = arith.muli %scan3A_70, %mul3A_71 : i32
      %multiple_of3A_73 = tpu.assume_multiple %mul3A_72, 16 : i32
      %get3A_74 = arith.index_cast %multiple_of3A_73 : i32 to index
      %get3A_75 = tpu.vector_load %arg4[%get3A_74] {strides = array<i32>} : memref<32768xf32, #tpu.memory_space<vmem>>, vector<16xf32>,
      %bitcast_convert_type3A_76 = tpu.bitcast %get3A_75 : vector<16xf32> -> vector<16xi32>
      %shift_right_arithmetic3A_77 = arith.constant 31 : i32
      %shift_right_arithmetic3A_78 = vector.broadcast %shift_right_arithmetic3A_77 : i32 to vector<16xi32>
      %shift_right_arithmetic3A_79 = arith.shrsi %bitcast_convert_type3A_76, %shift_right_arithmetic3A_78 : vector<16xi32>
      %and3A_80 = arith.constant 2147483647 : i32
      %and3A_81 = vector.broadcast %and3A_80 : i32 to vector<16xi32>
      %and3A_82 = arith.andi %shift_right_arithmetic3A_79, %and3A_81 : vector<16xi32>
      %xor3A_83 = arith.xori %bitcast_convert_type3A_76, %and3A_82 : vector<16xi32>
      %shift_right_arithmetic3A_84 = arith.constant 20 : i32
      %shift_right_arithmetic3A_85 = vector.broadcast %shift_right_arithmetic3A_84 : i32 to vector<16xi32>
      %shift_right_arithmetic3A_86 = arith.shrsi %xor3A_83, %shift_right_arithmetic3A_85 : vector<16xi32>
      %add3A_87 = arith.constant 2048 : i32
      %add3A_88 = vector.broadcast %add3A_87 : i32 to vector<16xi32>
      %add3A_89 = arith.addi %shift_right_arithmetic3A_86, %add3A_88 : vector<16xi32>
      %add3A_90 = arith.addi %mul3A_12, %add3A_89 : vector<16xi32>
      tpu.vector_store_idx %arg5[%add3A_90], %broadcast_in_dim3A_14 {add = true} : memref<65536xi32, #tpu.memory_space<vmem>>[vector<16xi32>], vector<16xi32>,
      %scan3A_91 = arith.constant 0 : i32
      %scan3A_92 = arith.constant 3 : i32
      %scan3A_93 = arith.addi %scan3A_29, %scan3A_92 : i32
      %mul3A_94 = arith.constant 16 : i32
      %mul3A_95 = arith.muli %scan3A_93, %mul3A_94 : i32
      %multiple_of3A_96 = tpu.assume_multiple %mul3A_95, 16 : i32
      %get3A_97 = arith.index_cast %multiple_of3A_96 : i32 to index
      %get3A_98 = tpu.vector_load %arg4[%get3A_97] {strides = array<i32>} : memref<32768xf32, #tpu.memory_space<vmem>>, vector<16xf32>,
      %bitcast_convert_type3A_99 = tpu.bitcast %get3A_98 : vector<16xf32> -> vector<16xi32>
      %shift_right_arithmetic3A_100 = arith.constant 31 : i32
      %shift_right_arithmetic3A_101 = vector.broadcast %shift_right_arithmetic3A_100 : i32 to vector<16xi32>
      %shift_right_arithmetic3A_102 = arith.shrsi %bitcast_convert_type3A_99, %shift_right_arithmetic3A_101 : vector<16xi32>
      %and3A_103 = arith.constant 2147483647 : i32
      %and3A_104 = vector.broadcast %and3A_103 : i32 to vector<16xi32>
      %and3A_105 = arith.andi %shift_right_arithmetic3A_102, %and3A_104 : vector<16xi32>
      %xor3A_106 = arith.xori %bitcast_convert_type3A_99, %and3A_105 : vector<16xi32>
      %shift_right_arithmetic3A_107 = arith.constant 20 : i32
      %shift_right_arithmetic3A_108 = vector.broadcast %shift_right_arithmetic3A_107 : i32 to vector<16xi32>
      %shift_right_arithmetic3A_109 = arith.shrsi %xor3A_106, %shift_right_arithmetic3A_108 : vector<16xi32>
      %add3A_110 = arith.constant 2048 : i32
      %add3A_111 = vector.broadcast %add3A_110 : i32 to vector<16xi32>
      %add3A_112 = arith.addi %shift_right_arithmetic3A_109, %add3A_111 : vector<16xi32>
      %add3A_113 = arith.addi %mul3A_12, %add3A_112 : vector<16xi32>
      tpu.vector_store_idx %arg5[%add3A_113], %broadcast_in_dim3A_14 {add = true} : memref<65536xi32, #tpu.memory_space<vmem>>[vector<16xi32>], vector<16xi32>,
      %scan3A_114 = arith.constant 0 : i32
      scf.yield %scan3A_114 : i32
    }
    %scan3A_21 = arith.constant 2048 : i32
    %scan3A_22 = arith.constant 0 : i32
    %scan3A_23 = arith.constant 0 : i32
    %scan3A_24 = arith.constant 256 : i32
    %scan3A_25 = arith.addi %scan3A_23, %scan3A_24 : i32
    %scan3A_26 = arith.constant 1 : i32
    %scan3A_27 = scf.for %scan3A_29 = %scan3A_23 to %scan3A_25 step %scan3A_26 iter_args(%scan3A_30 = %scan3A_22) -> (i32)  : i32 {
      %mul3A_31 = arith.constant 16 : i32
      %mul3A_32 = arith.muli %scan3A_29, %mul3A_31 : i32
      %multiple_of3A = tpu.assume_multiple %mul3A_32, 16 : i32
      %get3A = arith.index_cast %multiple_of3A : i32 to index
      %get3A_33 = tpu.vector_load %arg5[%get3A] {strides = array<i32>} : memref<65536xi32, #tpu.memory_space<vmem>>, vector<16xi32>,
      %add3A_34 = arith.constant 4096 : i32
      %add3A_35 = arith.addi %add3A_34, %multiple_of3A : i32
      %get3A_36 = arith.index_cast %add3A_35 : i32 to index
      %get3A_37 = tpu.vector_load %arg5[%get3A_36] {strides = array<i32>} : memref<65536xi32, #tpu.memory_space<vmem>>, vector<16xi32>,
      %add3A_38 = arith.addi %get3A_33, %get3A_37 : vector<16xi32>
      %add3A_39 = arith.constant 8192 : i32
      %add3A_40 = arith.addi %add3A_39, %multiple_of3A : i32
      %get3A_41 = arith.index_cast %add3A_40 : i32 to index
      %get3A_42 = tpu.vector_load %arg5[%get3A_41] {strides = array<i32>} : memref<65536xi32, #tpu.memory_space<vmem>>, vector<16xi32>,
      %add3A_43 = arith.addi %add3A_38, %get3A_42 : vector<16xi32>
      %add3A_44 = arith.constant 12288 : i32
      %add3A_45 = arith.addi %add3A_44, %multiple_of3A : i32
      %get3A_46 = arith.index_cast %add3A_45 : i32 to index
      %get3A_47 = tpu.vector_load %arg5[%get3A_46] {strides = array<i32>} : memref<65536xi32, #tpu.memory_space<vmem>>, vector<16xi32>,
      %add3A_48 = arith.addi %add3A_43, %get3A_47 : vector<16xi32>
      %add3A_49 = arith.constant 16384 : i32
      %add3A_50 = arith.addi %add3A_49, %multiple_of3A : i32
      %get3A_51 = arith.index_cast %add3A_50 : i32 to index
      %get3A_52 = tpu.vector_load %arg5[%get3A_51] {strides = array<i32>} : memref<65536xi32, #tpu.memory_space<vmem>>, vector<16xi32>,
      %add3A_53 = arith.addi %add3A_48, %get3A_52 : vector<16xi32>
      %add3A_54 = arith.constant 20480 : i32
      %add3A_55 = arith.addi %add3A_54, %multiple_of3A : i32
      %get3A_56 = arith.index_cast %add3A_55 : i32 to index
      %get3A_57 = tpu.vector_load %arg5[%get3A_56] {strides = array<i32>} : memref<65536xi32, #tpu.memory_space<vmem>>, vector<16xi32>,
      %add3A_58 = arith.addi %add3A_53, %get3A_57 : vector<16xi32>
      %add3A_59 = arith.constant 24576 : i32
      %add3A_60 = arith.addi %add3A_59, %multiple_of3A : i32
      %get3A_61 = arith.index_cast %add3A_60 : i32 to index
      %get3A_62 = tpu.vector_load %arg5[%get3A_61] {strides = array<i32>} : memref<65536xi32, #tpu.memory_space<vmem>>, vector<16xi32>,
      %add3A_63 = arith.addi %add3A_58, %get3A_62 : vector<16xi32>
      %add3A_64 = arith.constant 28672 : i32
      %add3A_65 = arith.addi %add3A_64, %multiple_of3A : i32
      %get3A_66 = arith.index_cast %add3A_65 : i32 to index
      %get3A_67 = tpu.vector_load %arg5[%get3A_66] {strides = array<i32>} : memref<65536xi32, #tpu.memory_space<vmem>>, vector<16xi32>,
      %add3A_68 = arith.addi %add3A_63, %get3A_67 : vector<16xi32>
      %add3A_69 = arith.constant 32768 : i32
      %add3A_70 = arith.addi %add3A_69, %multiple_of3A : i32
      %get3A_71 = arith.index_cast %add3A_70 : i32 to index
      %get3A_72 = tpu.vector_load %arg5[%get3A_71] {strides = array<i32>} : memref<65536xi32, #tpu.memory_space<vmem>>, vector<16xi32>,
      %add3A_73 = arith.addi %add3A_68, %get3A_72 : vector<16xi32>
      %add3A_74 = arith.constant 36864 : i32
      %add3A_75 = arith.addi %add3A_74, %multiple_of3A : i32
      %get3A_76 = arith.index_cast %add3A_75 : i32 to index
      %get3A_77 = tpu.vector_load %arg5[%get3A_76] {strides = array<i32>} : memref<65536xi32, #tpu.memory_space<vmem>>, vector<16xi32>,
      %add3A_78 = arith.addi %add3A_73, %get3A_77 : vector<16xi32>
      %add3A_79 = arith.constant 40960 : i32
      %add3A_80 = arith.addi %add3A_79, %multiple_of3A : i32
      %get3A_81 = arith.index_cast %add3A_80 : i32 to index
      %get3A_82 = tpu.vector_load %arg5[%get3A_81] {strides = array<i32>} : memref<65536xi32, #tpu.memory_space<vmem>>, vector<16xi32>,
      %add3A_83 = arith.addi %add3A_78, %get3A_82 : vector<16xi32>
      %add3A_84 = arith.constant 45056 : i32
      %add3A_85 = arith.addi %add3A_84, %multiple_of3A : i32
      %get3A_86 = arith.index_cast %add3A_85 : i32 to index
      %get3A_87 = tpu.vector_load %arg5[%get3A_86] {strides = array<i32>} : memref<65536xi32, #tpu.memory_space<vmem>>, vector<16xi32>,
      %add3A_88 = arith.addi %add3A_83, %get3A_87 : vector<16xi32>
      %add3A_89 = arith.constant 49152 : i32
      %add3A_90 = arith.addi %add3A_89, %multiple_of3A : i32
      %get3A_91 = arith.index_cast %add3A_90 : i32 to index
      %get3A_92 = tpu.vector_load %arg5[%get3A_91] {strides = array<i32>} : memref<65536xi32, #tpu.memory_space<vmem>>, vector<16xi32>,
      %add3A_93 = arith.addi %add3A_88, %get3A_92 : vector<16xi32>
      %add3A_94 = arith.constant 53248 : i32
      %add3A_95 = arith.addi %add3A_94, %multiple_of3A : i32
      %get3A_96 = arith.index_cast %add3A_95 : i32 to index
      %get3A_97 = tpu.vector_load %arg5[%get3A_96] {strides = array<i32>} : memref<65536xi32, #tpu.memory_space<vmem>>, vector<16xi32>,
      %add3A_98 = arith.addi %add3A_93, %get3A_97 : vector<16xi32>
      %add3A_99 = arith.constant 57344 : i32
      %add3A_100 = arith.addi %add3A_99, %multiple_of3A : i32
      %get3A_101 = arith.index_cast %add3A_100 : i32 to index
      %get3A_102 = tpu.vector_load %arg5[%get3A_101] {strides = array<i32>} : memref<65536xi32, #tpu.memory_space<vmem>>, vector<16xi32>,
      %add3A_103 = arith.addi %add3A_98, %get3A_102 : vector<16xi32>
      %add3A_104 = arith.constant 61440 : i32
      %add3A_105 = arith.addi %add3A_104, %multiple_of3A : i32
      %get3A_106 = arith.index_cast %add3A_105 : i32 to index
      %get3A_107 = tpu.vector_load %arg5[%get3A_106] {strides = array<i32>} : memref<65536xi32, #tpu.memory_space<vmem>>, vector<16xi32>,
      %add3A_108 = arith.addi %add3A_103, %get3A_107 : vector<16xi32>
      %swap3A = arith.index_cast %multiple_of3A : i32 to index
      %swap3A_109 = tpu.vector_load %arg6[%swap3A] {strides = array<i32>} : memref<4096xi32, #tpu.memory_space<vmem>>, vector<16xi32>,
      tpu.vector_store %arg6[%swap3A], %add3A_108 {strides = array<i32>} : memref<4096xi32, #tpu.memory_space<vmem>>, vector<16xi32>,
      %scan3A_110 = arith.constant 0 : i32
      scf.yield %scan3A_110 : i32
    }
    %scan3A_28 = arith.constant 256 : i32
    "tpu.region"() ({
      %run_scoped3A = tpu.sem_alloc : memref<!tpu.dma_semaphore, #tpu.memory_space<semaphore_mem>>
      %dma_start3A = arith.constant 0 : i32
      %dma_start3A_29 = tpu.memref_slice %arg3[%add3A, %dma_start3A] : memref<32x4096xi32, #tpu.memory_space<hbm>> -> memref<1x4096xi32, #tpu.memory_space<hbm>>
      %dma_start3A_30 = tpu.memref_squeeze %dma_start3A_29 : memref<1x4096xi32, #tpu.memory_space<hbm>> -> memref<4096xi32, #tpu.memory_space<hbm>>
      %dma_start3A_31 = arith.constant 0 : i32
      %dma_start3A_32 = tpu.memref_slice %arg3[%add3A, %dma_start3A_31] : memref<32x4096xi32, #tpu.memory_space<hbm>> -> memref<1x4096xi32, #tpu.memory_space<hbm>>
      %dma_start3A_33 = tpu.memref_squeeze %dma_start3A_32 : memref<1x4096xi32, #tpu.memory_space<hbm>> -> memref<4096xi32, #tpu.memory_space<hbm>>
      tpu.enqueue_dma source(%arg6 : memref<4096xi32, #tpu.memory_space<vmem>>) target(%dma_start3A_33 : memref<4096xi32, #tpu.memory_space<hbm>>) target_semaphore(%run_scoped3A : memref<!tpu.dma_semaphore, #tpu.memory_space<semaphore_mem>>)
      %dma_wait3A = arith.constant 0 : i32
      %dma_wait3A_34 = tpu.memref_slice %arg3[%add3A, %dma_wait3A] : memref<32x4096xi32, #tpu.memory_space<hbm>> -> memref<1x4096xi32, #tpu.memory_space<hbm>>
      %dma_wait3A_35 = tpu.memref_squeeze %dma_wait3A_34 : memref<1x4096xi32, #tpu.memory_space<hbm>> -> memref<4096xi32, #tpu.memory_space<hbm>>
      %dma_wait3A_36 = arith.constant 0 : i32
      %dma_wait3A_37 = tpu.memref_slice %arg3[%add3A, %dma_wait3A_36] : memref<32x4096xi32, #tpu.memory_space<hbm>> -> memref<1x4096xi32, #tpu.memory_space<hbm>>
      %dma_wait3A_38 = tpu.memref_squeeze %dma_wait3A_37 : memref<1x4096xi32, #tpu.memory_space<hbm>> -> memref<4096xi32, #tpu.memory_space<hbm>>
      tpu.wait_dma2 semaphore(%run_scoped3A : memref<!tpu.dma_semaphore, #tpu.memory_space<semaphore_mem>>) src(%arg6 : memref<4096xi32, #tpu.memory_space<vmem>>) dst(%dma_wait3A_38 : memref<4096xi32, #tpu.memory_space<hbm>>)
      tpu.yield
    }) : () -> ()
    return
  }
}

module attributes {stable_mosaic.version = 14 : i64} {
  func.func @_merge1_body(%arg0: memref<32x32x128xi32, #tpu.memory_space<vmem>>, %arg1: memref<8x128xi32, #tpu.memory_space<vmem>>) attributes {dimension_semantics = [], scalar_prefetch = 0 : i64, scratch_operands = 0 : i64, tpu.core_type = #tpu.core_type<tc>} {
    %get3A = arith.constant 0 : index
    %get3A_0 = arith.constant 0 : index
    %get3A_1 = arith.constant 0 : index
    %get3A_2 = vector.load %arg0[%get3A, %get3A_0, %get3A_1] : memref<32x32x128xi32, #tpu.memory_space<vmem>>, vector<32x32x128xi32>
    %reduce_sum3A = arith.constant dense<0> : vector<32x128xi32>
    %reduce_sum3A_3 = vector.multi_reduction <add>, %get3A_2, %reduce_sum3A [0] : vector<32x32x128xi32> to vector<32x128xi32>
    %iota3A = tpu.iota {dimensions = array<i32: 0>} : vector<32x128xi32>
    %mul3A = arith.constant 128 : i32
    %mul3A_4 = vector.broadcast %mul3A : i32 to vector<32x128xi32>
    %mul3A_5 = arith.muli %iota3A, %mul3A_4 : vector<32x128xi32>
    %iota3A_6 = tpu.iota {dimensions = array<i32: 1>} : vector<32x128xi32>
    %add3A = arith.addi %mul3A_5, %iota3A_6 : vector<32x128xi32>
    %scan3A = arith.constant 0 : i32
    %scan3A_7 = arith.constant 4096 : i32
    %scan3A_8 = arith.constant 0 : i32
    %scan3A_9 = arith.constant 12 : i32
    %scan3A_10 = arith.addi %scan3A_8, %scan3A_9 : i32
    %scan3A_11 = arith.constant 1 : i32
    %scan3A_12:2 = scf.for %scan3A_28 = %scan3A_8 to %scan3A_10 step %scan3A_11 iter_args(%scan3A_29 = %scan3A, %scan3A_30 = %scan3A_7) -> (i32, i32)  : i32 {
      %add3A_31 = arith.addi %scan3A_29, %scan3A_30 : i32
      %jit3A_32 = arith.constant 2 : i32
      %div3A = arith.divsi %add3A_31, %jit3A_32 : i32
      %sign3A = arith.constant 0 : i32
      %sign3A_33 = arith.cmpi sgt, %add3A_31, %sign3A : i32
      %sign3A_34 = arith.extui %sign3A_33 : i1 to i32
      %sign3A_35 = arith.constant 0 : i32
      %sign3A_36 = arith.cmpi slt, %add3A_31, %sign3A_35 : i32
      %sign3A_37 = arith.extui %sign3A_36 : i1 to i32
      %sign3A_38 = arith.subi %sign3A_34, %sign3A_37 : i32
      %sign3A_39 = arith.constant 0 : i32
      %sign3A_40 = arith.cmpi sgt, %jit3A_32, %sign3A_39 : i32
      %sign3A_41 = arith.extui %sign3A_40 : i1 to i32
      %sign3A_42 = arith.constant 0 : i32
      %sign3A_43 = arith.cmpi slt, %jit3A_32, %sign3A_42 : i32
      %sign3A_44 = arith.extui %sign3A_43 : i1 to i32
      %sign3A_45 = arith.subi %sign3A_41, %sign3A_44 : i32
      %ne3A = arith.cmpi ne, %sign3A_38, %sign3A_45 : i32
      %rem3A = arith.remsi %add3A_31, %jit3A_32 : i32
      %ne3A_46 = arith.constant 0 : i32
      %ne3A_47 = arith.cmpi ne, %rem3A, %ne3A_46 : i32
      %and3A = arith.andi %ne3A, %ne3A_47 : i1
      %sub3A_48 = arith.constant 1 : i32
      %sub3A_49 = arith.subi %div3A, %sub3A_48 : i32
      %select_n3A_50 = arith.select %and3A, %sub3A_49, %div3A : i32
      %lt3A_51 = vector.broadcast %select_n3A_50 : i32 to vector<32x128xi32>
      %lt3A_52 = arith.cmpi slt, %add3A, %lt3A_51 : vector<32x128xi32>
      %jit3A_53 = arith.constant 0 : i32
      %broadcast_in_dim3A_54 = vector.broadcast %jit3A_53 : i32 to vector<32x128xi32>
      %select_n3A_55 = arith.select %lt3A_52, %reduce_sum3A_3, %broadcast_in_dim3A_54 : vector<32x128xi1>, vector<32x128xi32>
      %reduce_sum3A_56 = vector.shape_cast %select_n3A_55 : vector<32x128xi32> to vector<1x32x128xi32>
      %reduce_sum3A_57 = arith.constant dense<0> : vector<1xi32>
      %reduce_sum3A_58 = vector.multi_reduction <add>, %reduce_sum3A_56, %reduce_sum3A_57 [1, 2] : vector<1x32x128xi32> to vector<1xi32>
      %reduce_sum3A_59 = vector.shape_cast %reduce_sum3A_58 : vector<1xi32> to vector<1x1x1xi32>
      %reduce_sum3A_60 = vector.extract %reduce_sum3A_59[0, 0, 0] : i32 from vector<1x1x1xi32>
      %ge3A = arith.constant 52428 : i32
      %ge3A_61 = arith.cmpi sge, %reduce_sum3A_60, %ge3A : i32
      %select_n3A_62 = arith.select %ge3A_61, %scan3A_29, %select_n3A_50 : i32
      %ge3A_63 = arith.constant 52428 : i32
      %ge3A_64 = arith.cmpi sge, %reduce_sum3A_60, %ge3A_63 : i32
      %select_n3A_65 = arith.select %ge3A_64, %select_n3A_50, %scan3A_30 : i32
      scf.yield %select_n3A_62, %select_n3A_65 : i32, i32
    }
    %sub3A = arith.constant 1 : i32
    %sub3A_13 = arith.subi %scan3A_12#1, %sub3A : i32
    %lt3A = vector.broadcast %sub3A_13 : i32 to vector<32x128xi32>
    %lt3A_14 = arith.cmpi slt, %add3A, %lt3A : vector<32x128xi32>
    %jit3A = arith.constant 0 : i32
    %broadcast_in_dim3A = vector.broadcast %jit3A : i32 to vector<32x128xi32>
    %select_n3A = arith.select %lt3A_14, %reduce_sum3A_3, %broadcast_in_dim3A : vector<32x128xi1>, vector<32x128xi32>
    %reduce_sum3A_15 = vector.shape_cast %select_n3A : vector<32x128xi32> to vector<1x32x128xi32>
    %reduce_sum3A_16 = arith.constant dense<0> : vector<1xi32>
    %reduce_sum3A_17 = vector.multi_reduction <add>, %reduce_sum3A_15, %reduce_sum3A_16 [1, 2] : vector<1x32x128xi32> to vector<1xi32>
    %reduce_sum3A_18 = vector.shape_cast %reduce_sum3A_17 : vector<1xi32> to vector<1x1x1xi32>
    %reduce_sum3A_19 = vector.extract %reduce_sum3A_18[0, 0, 0] : i32 from vector<1x1x1xi32>
    %iota3A_20 = tpu.iota {dimensions = array<i32: 0>} : vector<8x128xi32>
    %eq3A = arith.constant 0 : i32
    %eq3A_21 = vector.broadcast %eq3A : i32 to vector<8x128xi32>
    %eq3A_22 = arith.cmpi eq, %iota3A_20, %eq3A_21 : vector<8x128xi32>
    %broadcast_in_dim3A_23 = vector.broadcast %sub3A_13 : i32 to vector<8x128xi32>
    %broadcast_in_dim3A_24 = vector.broadcast %reduce_sum3A_19 : i32 to vector<8x128xi32>
    %select_n3A_25 = arith.select %eq3A_22, %broadcast_in_dim3A_23, %broadcast_in_dim3A_24 : vector<8x128xi1>, vector<8x128xi32>
    %swap3A = arith.constant 0 : index
    %swap3A_26 = arith.constant 0 : index
    %swap3A_27 = vector.load %arg1[%swap3A, %swap3A_26] : memref<8x128xi32, #tpu.memory_space<vmem>>, vector<8x128xi32>
    tpu.vector_store %arg1[%swap3A, %swap3A_26], %select_n3A_25 {strides = array<i32>} : memref<8x128xi32, #tpu.memory_space<vmem>>, vector<8x128xi32>,
    return
  }
}

module attributes {stable_mosaic.version = 14 : i64} {
  func.func @_final_body(%arg0: memref<32x2x128xi32, #tpu.memory_space<vmem>>, %arg1: memref<32x2x128xf32, #tpu.memory_space<vmem>>, %arg2: memref<4x128xf32, #tpu.memory_space<vmem>>, %arg3: memref<8x128xi32, #tpu.memory_space<vmem>>, %arg4: memref<8x128xf32, #tpu.memory_space<vmem>>) attributes {dimension_semantics = [], scalar_prefetch = 0 : i64, scratch_operands = 0 : i64, tpu.core_type = #tpu.core_type<tc>} {
    %get3A = arith.constant 0 : index
    %get3A_0 = arith.constant 0 : index
    %get3A_1 = arith.constant 0 : index
    %get3A_2 = vector.load %arg0[%get3A, %get3A_0, %get3A_1] : memref<32x2x128xi32, #tpu.memory_space<vmem>>, vector<32x2x128xi32>
    %reduce_sum3A = arith.constant dense<0> : vector<2x128xi32>
    %reduce_sum3A_3 = vector.multi_reduction <add>, %get3A_2, %reduce_sum3A [0] : vector<32x2x128xi32> to vector<2x128xi32>
    %get3A_4 = arith.constant 0 : index
    %get3A_5 = arith.constant 0 : index
    %get3A_6 = arith.constant 0 : index
    %get3A_7 = vector.load %arg1[%get3A_4, %get3A_5, %get3A_6] : memref<32x2x128xf32, #tpu.memory_space<vmem>>, vector<32x2x128xf32>
    %reduce_sum3A_8 = arith.constant dense<0.000000e+00> : vector<2x128xf32>
    %reduce_sum3A_9 = vector.multi_reduction <add>, %get3A_7, %reduce_sum3A_8 [0] : vector<32x2x128xf32> to vector<2x128xf32>
    %iota3A = tpu.iota {dimensions = array<i32: 0>} : vector<2x128xi32>
    %mul3A = arith.constant 128 : i32
    %mul3A_10 = vector.broadcast %mul3A : i32 to vector<2x128xi32>
    %mul3A_11 = arith.muli %iota3A, %mul3A_10 : vector<2x128xi32>
    %iota3A_12 = tpu.iota {dimensions = array<i32: 1>} : vector<2x128xi32>
    %add3A = arith.addi %mul3A_11, %iota3A_12 : vector<2x128xi32>
    %get3A_13 = arith.constant 1 : index
    %get3A_14 = arith.constant 0 : index
    %get3A_15 = vector.load %arg3[%get3A_13, %get3A_14] : memref<8x128xi32, #tpu.memory_space<vmem>>, vector<1x1xi32>
    %get3A_16 = vector.extract %get3A_15[0, 0] : i32 from vector<1x1xi32>
    %sub3A = arith.constant 52428 : i32
    %sub3A_17 = arith.subi %sub3A, %get3A_16 : i32
    %scan3A = arith.constant 0 : i32
    %scan3A_18 = arith.constant 256 : i32
    %scan3A_19 = arith.constant 0 : i32
    %scan3A_20 = arith.constant 8 : i32
    %scan3A_21 = arith.addi %scan3A_19, %scan3A_20 : i32
    %scan3A_22 = arith.constant 1 : i32
    %scan3A_23:2 = scf.for %scan3A_79 = %scan3A_19 to %scan3A_21 step %scan3A_22 iter_args(%scan3A_80 = %scan3A, %scan3A_81 = %scan3A_18) -> (i32, i32)  : i32 {
      %add3A_82 = arith.addi %scan3A_80, %scan3A_81 : i32
      %jit3A_83 = arith.constant 2 : i32
      %div3A_84 = arith.divsi %add3A_82, %jit3A_83 : i32
      %sign3A = arith.constant 0 : i32
      %sign3A_85 = arith.cmpi sgt, %add3A_82, %sign3A : i32
      %sign3A_86 = arith.extui %sign3A_85 : i1 to i32
      %sign3A_87 = arith.constant 0 : i32
      %sign3A_88 = arith.cmpi slt, %add3A_82, %sign3A_87 : i32
      %sign3A_89 = arith.extui %sign3A_88 : i1 to i32
      %sign3A_90 = arith.subi %sign3A_86, %sign3A_89 : i32
      %sign3A_91 = arith.constant 0 : i32
      %sign3A_92 = arith.cmpi sgt, %jit3A_83, %sign3A_91 : i32
      %sign3A_93 = arith.extui %sign3A_92 : i1 to i32
      %sign3A_94 = arith.constant 0 : i32
      %sign3A_95 = arith.cmpi slt, %jit3A_83, %sign3A_94 : i32
      %sign3A_96 = arith.extui %sign3A_95 : i1 to i32
      %sign3A_97 = arith.subi %sign3A_93, %sign3A_96 : i32
      %ne3A = arith.cmpi ne, %sign3A_90, %sign3A_97 : i32
      %rem3A = arith.remsi %add3A_82, %jit3A_83 : i32
      %ne3A_98 = arith.constant 0 : i32
      %ne3A_99 = arith.cmpi ne, %rem3A, %ne3A_98 : i32
      %and3A = arith.andi %ne3A, %ne3A_99 : i1
      %sub3A_100 = arith.constant 1 : i32
      %sub3A_101 = arith.subi %div3A_84, %sub3A_100 : i32
      %select_n3A_102 = arith.select %and3A, %sub3A_101, %div3A_84 : i32
      %lt3A_103 = vector.broadcast %select_n3A_102 : i32 to vector<2x128xi32>
      %lt3A_104 = arith.cmpi slt, %add3A, %lt3A_103 : vector<2x128xi32>
      %jit3A_105 = arith.constant 0 : i32
      %broadcast_in_dim3A_106 = vector.broadcast %jit3A_105 : i32 to vector<2x128xi32>
      %select_n3A_107 = arith.select %lt3A_104, %reduce_sum3A_3, %broadcast_in_dim3A_106 : vector<2x128xi1>, vector<2x128xi32>
      %reduce_sum3A_108 = vector.shape_cast %select_n3A_107 : vector<2x128xi32> to vector<1x2x128xi32>
      %reduce_sum3A_109 = arith.constant dense<0> : vector<1xi32>
      %reduce_sum3A_110 = vector.multi_reduction <add>, %reduce_sum3A_108, %reduce_sum3A_109 [1, 2] : vector<1x2x128xi32> to vector<1xi32>
      %reduce_sum3A_111 = vector.shape_cast %reduce_sum3A_110 : vector<1xi32> to vector<1x1x1xi32>
      %reduce_sum3A_112 = vector.extract %reduce_sum3A_111[0, 0, 0] : i32 from vector<1x1x1xi32>
      %ge3A = arith.cmpi sge, %reduce_sum3A_112, %sub3A_17 : i32
      %select_n3A_113 = arith.select %ge3A, %scan3A_80, %select_n3A_102 : i32
      %ge3A_114 = arith.cmpi sge, %reduce_sum3A_112, %sub3A_17 : i32
      %select_n3A_115 = arith.select %ge3A_114, %select_n3A_102, %scan3A_81 : i32
      scf.yield %select_n3A_113, %select_n3A_115 : i32, i32
    }
    %sub3A_24 = arith.constant 1 : i32
    %sub3A_25 = arith.subi %scan3A_23#1, %sub3A_24 : i32
    %lt3A = vector.broadcast %sub3A_25 : i32 to vector<2x128xi32>
    %lt3A_26 = arith.cmpi slt, %add3A, %lt3A : vector<2x128xi32>
    %jit3A = arith.constant 0 : i32
    %broadcast_in_dim3A = vector.broadcast %jit3A : i32 to vector<2x128xi32>
    %select_n3A = arith.select %lt3A_26, %reduce_sum3A_3, %broadcast_in_dim3A : vector<2x128xi1>, vector<2x128xi32>
    %reduce_sum3A_27 = vector.shape_cast %select_n3A : vector<2x128xi32> to vector<1x2x128xi32>
    %reduce_sum3A_28 = arith.constant dense<0> : vector<1xi32>
    %reduce_sum3A_29 = vector.multi_reduction <add>, %reduce_sum3A_27, %reduce_sum3A_28 [1, 2] : vector<1x2x128xi32> to vector<1xi32>
    %reduce_sum3A_30 = vector.shape_cast %reduce_sum3A_29 : vector<1xi32> to vector<1x1x1xi32>
    %reduce_sum3A_31 = vector.extract %reduce_sum3A_30[0, 0, 0] : i32 from vector<1x1x1xi32>
    %sub3A_32 = arith.subi %sub3A_17, %reduce_sum3A_31 : i32
    %convert_element_type3A = arith.sitofp %sub3A_32 : i32 to f32
    %lt3A_33 = vector.broadcast %sub3A_25 : i32 to vector<2x128xi32>
    %lt3A_34 = arith.cmpi slt, %add3A, %lt3A_33 : vector<2x128xi32>
    %jit3A_35 = arith.constant 0.000000e+00 : f32
    %broadcast_in_dim3A_36 = vector.broadcast %jit3A_35 : f32 to vector<2x128xf32>
    %select_n3A_37 = arith.select %lt3A_34, %reduce_sum3A_9, %broadcast_in_dim3A_36 : vector<2x128xi1>, vector<2x128xf32>
    %reduce_sum3A_38 = vector.shape_cast %select_n3A_37 : vector<2x128xf32> to vector<1x2x128xf32>
    %reduce_sum3A_39 = arith.constant dense<0.000000e+00> : vector<1xf32>
    %reduce_sum3A_40 = vector.multi_reduction <add>, %reduce_sum3A_38, %reduce_sum3A_39 [1, 2] : vector<1x2x128xf32> to vector<1xf32>
    %reduce_sum3A_41 = vector.shape_cast %reduce_sum3A_40 : vector<1xf32> to vector<1x1x1xf32>
    %reduce_sum3A_42 = vector.extract %reduce_sum3A_41[0, 0, 0] : f32 from vector<1x1x1xf32>
    %eq3A = vector.broadcast %sub3A_25 : i32 to vector<2x128xi32>
    %eq3A_43 = arith.cmpi eq, %add3A, %eq3A : vector<2x128xi32>
    %jit3A_44 = arith.constant 0 : i32
    %broadcast_in_dim3A_45 = vector.broadcast %jit3A_44 : i32 to vector<2x128xi32>
    %select_n3A_46 = arith.select %eq3A_43, %reduce_sum3A_3, %broadcast_in_dim3A_45 : vector<2x128xi1>, vector<2x128xi32>
    %reduce_sum3A_47 = vector.shape_cast %select_n3A_46 : vector<2x128xi32> to vector<1x2x128xi32>
    %reduce_sum3A_48 = arith.constant dense<0> : vector<1xi32>
    %reduce_sum3A_49 = vector.multi_reduction <add>, %reduce_sum3A_47, %reduce_sum3A_48 [1, 2] : vector<1x2x128xi32> to vector<1xi32>
    %reduce_sum3A_50 = vector.shape_cast %reduce_sum3A_49 : vector<1xi32> to vector<1x1x1xi32>
    %reduce_sum3A_51 = vector.extract %reduce_sum3A_50[0, 0, 0] : i32 from vector<1x1x1xi32>
    %convert_element_type3A_52 = arith.sitofp %reduce_sum3A_51 : i32 to f32
    %eq3A_53 = vector.broadcast %sub3A_25 : i32 to vector<2x128xi32>
    %eq3A_54 = arith.cmpi eq, %add3A, %eq3A_53 : vector<2x128xi32>
    %jit3A_55 = arith.constant 0.000000e+00 : f32
    %broadcast_in_dim3A_56 = vector.broadcast %jit3A_55 : f32 to vector<2x128xf32>
    %select_n3A_57 = arith.select %eq3A_54, %reduce_sum3A_9, %broadcast_in_dim3A_56 : vector<2x128xi1>, vector<2x128xf32>
    %reduce_sum3A_58 = vector.shape_cast %select_n3A_57 : vector<2x128xf32> to vector<1x2x128xf32>
    %reduce_sum3A_59 = arith.constant dense<0.000000e+00> : vector<1xf32>
    %reduce_sum3A_60 = vector.multi_reduction <add>, %reduce_sum3A_58, %reduce_sum3A_59 [1, 2] : vector<1x2x128xf32> to vector<1xf32>
    %reduce_sum3A_61 = vector.shape_cast %reduce_sum3A_60 : vector<1xf32> to vector<1x1x1xf32>
    %reduce_sum3A_62 = vector.extract %reduce_sum3A_61[0, 0, 0] : f32 from vector<1x1x1xf32>
    %get3A_63 = arith.constant 0 : index
    %get3A_64 = arith.constant 0 : index
    %get3A_65 = vector.load %arg2[%get3A_63, %get3A_64] : memref<4x128xf32, #tpu.memory_space<vmem>>, vector<4x128xf32>
    %reduce_sum3A_66 = vector.shape_cast %get3A_65 : vector<4x128xf32> to vector<1x4x128xf32>
    %reduce_sum3A_67 = arith.constant dense<0.000000e+00> : vector<1xf32>
    %reduce_sum3A_68 = vector.multi_reduction <add>, %reduce_sum3A_66, %reduce_sum3A_67 [1, 2] : vector<1x4x128xf32> to vector<1xf32>
    %reduce_sum3A_69 = vector.shape_cast %reduce_sum3A_68 : vector<1xf32> to vector<1x1x1xf32>
    %reduce_sum3A_70 = vector.extract %reduce_sum3A_69[0, 0, 0] : f32 from vector<1x1x1xf32>
    %add3A_71 = arith.addf %reduce_sum3A_70, %reduce_sum3A_42 : f32
    %div3A = arith.divf %reduce_sum3A_62, %convert_element_type3A_52 : f32
    %mul3A_72 = arith.mulf %convert_element_type3A, %div3A : f32
    %add3A_73 = arith.addf %add3A_71, %mul3A_72 : f32
    %mul3A_74 = arith.constant 1.90737774E-5 : f32
    %mul3A_75 = arith.mulf %add3A_73, %mul3A_74 : f32
    %broadcast_in_dim3A_76 = vector.broadcast %mul3A_75 : f32 to vector<8x128xf32>
    %swap3A = arith.constant 0 : index
    %swap3A_77 = arith.constant 0 : index
    %swap3A_78 = vector.load %arg4[%swap3A, %swap3A_77] : memref<8x128xf32, #tpu.memory_space<vmem>>, vector<8x128xf32>
    tpu.vector_store %arg4[%swap3A, %swap3A_77], %broadcast_in_dim3A_76 {strides = array<i32>} : memref<8x128xf32, #tpu.memory_space<vmem>>, vector<8x128xf32>,
    return
  }
}

</mosaic_0001>

<sc_bundles>
// kernel: kernel.6.cloned.1.call-start
scs
__scs_entry_jumppad:
0x0: {  	(pc) =	sbr.rel $0x88, $3  }
0x1: {  	(tag) =	ssettag $0x0;
	lr =	simm.s32 $0x1  }
0x2: {  	[smem:$0x3FA0] =	sst lr;
	_ =	strace $0xD0000000  }
0x3: {  	_ = 	snop  }
0x4: {  	_ = 	snop  }
0x5: {  	_ = 	snop  }
0x6: {  	_ = 	snop  }
0x7: {  	_ = 	snop  }
__scs_overlays_trampoline_lowered:
0x8: {  	[smem:$0x3FAF] =	sst s0  }
0x9: {  	[smem:$0x3FB0] =	sst s1  }
0xa: {  	[smem:$0x3FB1] =	sst s2  }
0xb: {  	[smem:$0x3FB2] =	sst s3  }
0xc: {  	[smem:$0x3FB3] =	sst s4  }
0xd: {  	[smem:$0x3FB4] =	sst s5  }
0xe: {  	[smem:$0x3FB5] =	sst s6  }
0xf: {  	[smem:$0x3FB6] =	sst s7  }
0x10: {  	[smem:$0x3FB7] =	sst s8  }
0x11: {  	[smem:$0x3FB8] =	sst s9;
	s0 =	simm.s32 @!p0 $0x0  }
0x12: {  	s1 =	sld [smem:$0x3F9E];
	s0 =	simm.s32 @p0 $0x1  }
0x13: {  	[smem:$0x3FB9] =	sst s0;
	s0 =	simm.s32 @!p1 $0x0  }
0x14: {  	s2 =	sld [smem:$0x3F9D];
	s0 =	simm.s32 @p1 $0x1  }
0x15: {  	[smem:$0x3FBA] =	sst s0;
	s0 =	simm.s32 @!p2 $0x0  }
0x16: {  	s3 =	sld [smem:$0x3FDB];
	s0 =	simm.s32 @p2 $0x1  }
0x17: {  	s4 =	simm.s32 $0x1BF5;
	[smem:$0x3FBC] =	sst s0  }
0x18: {  	s0 =	sld [smem:$0x3F9F];
	_ =	swait.ge [sflag:s4], $0x0  }
0x19: {  	s7 =	sld [smem:$0x3FA0]  }
0x1a: {  	s8 =	sadd.s32 $0xFFFFE003, lr  }
0x1b: {  	s9 =	sadd.s32 $0xFFFFFEF7, lr;
	s5 =	simm.s32 $0xFFFFFFFF;
	p2 =	slt.u32 s8, $0xFFFFF086  }
0x1c: {  	p1 =	slt.u32 s9, $0xF7A;
	s5 =	simm.s32 @!p2 $0x0  }
0x1d: {  	s5 =	simm.s32 @p1 $0x1;
	p0 =	seq.s32 s7, s2  }
0x1e: {  	s7 =	smul.u32 @!p0 $0xF7A, s2;
	p2 =	seq.s32 @!p0 s5, $0x0  }
0x1f: {  	s9 =	smul.u32 $0xF7A, s1;
	s8 =	simm.s32 @!p0 $0x1BF5;
	p2 =	por !p2, p0  }
0x20: {  	[sflag:s8] =	ssyncset.s32 @!p0 $0xFFFFF086;
	s6 =	sadd.s32 @!p0 s3, s7;
	s7 =	simm.s32 @!p0 $0x108  }
0x21: {  	s3 =	sadd.s32 s3, s9;
	s6 =	sadd.s32 @!p0 $0x88, s6;
	s7 =	simm.s32 @p2 $0x1082  }
0x22: {  	[simem:s7], [sflag:s8] =	dma.local @!p0 [hbm:s6], $0xF7A  }
0x23: {  	s9 =	sor.u32 $0xD0000000, s2;
	s6 =	simm.s32 $0x108;
	_ =	swait.ge @!p0 [sflag:s8], $0x0  }
0x24: {  	s3 =	sadd.s32 $0x88, s3;
	s6 =	simm.s32 @!p1 $0x1082;
	[sflag:s4] =	ssyncset.s32 $0xFFFFF086  }
0x25: {  	[simem:s6], [sflag:s4] =	dma.local [hbm:s3], $0xF7A  }
0x26: {  	[smem:$0x3FA0] =	sst s1;
	(tag) =	ssettag s2;
	_ =	strace s9  }
0x27: {  	s1 =	sld [smem:$0x3FB0]  }
0x28: {  	s2 =	sld [smem:$0x3FB1]  }
0x29: {  	s4 =	sld [smem:$0x3FB3]  }
0x2a: {  	p0 =	seq.s32 s5, $0x0;
	s5 =	sld [smem:$0x3FB4]  }
0x2b: {  	s6 =	sld [smem:$0x3FB5]  }
0x2c: {  	s7 =	sld [smem:$0x3FB6]  }
0x2d: {  	s3 =	simm.s32 $0x108;
	s8 =	sld [smem:$0x3FB7]  }
0x2e: {  	s3 =	simm.s32 @!p0 $0x1082;
	s9 =	sld [smem:$0x3FB8]  }
0x2f: {  	lr =	sadd.s32 s0, s3;
	s0 =	sld [smem:$0x3FAF]  }
0x30: {  	s3 =	sld [smem:$0x3FB2]  }
0x31: {  	[smem:$0x3FBB] =	sst s10  }
0x32: {  	s10 =	sld [smem:$0x3FB9];
	_ =	sdelay $0x3  }
0x33: {  	p0 =	seq.s32 s10, $0x1;
	s10 =	sld [smem:$0x3FBB];
	_ =	sdelay $0x3  }
0x34: {  	[smem:$0x3FBB] =	sst s10  }
0x35: {  	s10 =	sld [smem:$0x3FBA];
	_ =	sdelay $0x3  }
0x36: {  	p1 =	seq.s32 s10, $0x1;
	s10 =	sld [smem:$0x3FBB];
	_ =	sdelay $0x3  }
0x37: {  	[smem:$0x3FBB] =	sst s10  }
0x38: {  	s10 =	sld [smem:$0x3FBC]  }
0x39: {  	_ = 	snop;
	(pc) =	sbr.ind lr, $3  }
0x3a: {  	_ = 	snop  }
0x3b: {  	_ = 	snop  }
0x3c: {  	p2 =	seq.s32 s10, $0x1;
	s10 =	sld [smem:$0x3FBB]  }
0x3d: {  	_ =	shalt  }
0x3e: {  	_ =	shalt  }
0x3f: {  	_ =	shalt  }
0x40: {  	_ =	shalt  }
0x41: {  	_ =	shalt  }
0x42: {  	_ =	shalt  }
0x43: {  	_ =	shalt  }
0x44: {  	_ =	shalt  }
0x45: {  	_ =	shalt  }
0x46: {  	_ =	shalt  }
0x47: {  	_ =	shalt  }
0x48: {  	_ =	shalt  }
0x49: {  	_ =	shalt  }
0x4a: {  	_ =	shalt  }
0x4b: {  	_ =	shalt  }
0x4c: {  	_ =	shalt  }
0x4d: {  	_ =	shalt  }
0x4e: {  	_ =	shalt  }
0x4f: {  	_ =	shalt  }
0x50: {  	_ =	shalt  }
0x51: {  	_ =	shalt  }
0x52: {  	_ =	shalt  }
0x53: {  	_ =	shalt  }
0x54: {  	_ =	shalt  }
0x55: {  	_ =	shalt  }
0x56: {  	_ =	shalt  }
0x57: {  	_ =	shalt  }
0x58: {  	_ =	shalt  }
0x59: {  	_ =	shalt  }
0x5a: {  	_ =	shalt  }
0x5b: {  	_ =	shalt  }
0x5c: {  	_ =	shalt  }
0x5d: {  	_ =	shalt  }
0x5e: {  	_ =	shalt  }
0x5f: {  	_ =	shalt  }
0x60: {  	_ =	shalt  }
0x61: {  	_ =	shalt  }
0x62: {  	_ =	shalt  }
0x63: {  	_ =	shalt  }
0x64: {  	_ =	shalt  }
0x65: {  	_ =	shalt  }
0x66: {  	_ =	shalt  }
0x67: {  	_ =	shalt  }
0x68: {  	_ =	shalt  }
0x69: {  	_ =	shalt  }
0x6a: {  	_ =	shalt  }
0x6b: {  	_ =	shalt  }
0x6c: {  	_ =	shalt  }
0x6d: {  	_ =	shalt  }
0x6e: {  	_ =	shalt  }
0x6f: {  	_ =	shalt  }
0x70: {  	_ =	shalt  }
0x71: {  	_ =	shalt  }
0x72: {  	_ =	shalt  }
0x73: {  	_ =	shalt  }
0x74: {  	_ =	shalt  }
0x75: {  	_ =	shalt  }
0x76: {  	_ =	shalt  }
0x77: {  	_ =	shalt  }
0x78: {  	_ =	shalt  }
0x79: {  	_ =	shalt  }
0x7a: {  	_ =	shalt  }
0x7b: {  	_ =	shalt  }
0x7c: {  	_ =	shalt  }
0x7d: {  	_ =	shalt  }
0x7e: {  	_ =	shalt  }
0x7f: {  	_ =	shalt  }
0x80: {  	_ =	shalt  }
0x81: {  	_ =	shalt  }
0x82: {  	_ =	shalt  }
0x83: {  	_ =	shalt  }
0x84: {  	_ =	shalt  }
0x85: {  	_ =	shalt  }
0x86: {  	_ =	shalt  }
0x87: {  	_ =	shalt  }
.Lfunc_end0:
.L_simem_size_0:
called_computation_lowered:
.L_overlay_start_0:
0x88: {  	s2 =	sld [smem:$0x3FD9]  }
0x89: {  	s3 =	sld [smem:$0x3FFE];
	_ =	sdelay $0x1  }
0x8a: {  	s1 =	srdreg.scid  }
0x8b: {  	s0 =	sand.u32 $0x1, s1  }
0x8c: {  	s17 =	sshll.u32 s0, $0xA;
	s2 =	sadd.s32 s3, s2  }
0x8d: {  	s2 =	sadd.s32 s2, s17  }
0x8e: {  	[smem:$0x3FC7] =	sst s2  }
0x8f: {  	_ = 	snop  }
0x90: {  	s2 =	sld [smem:$0x3FC9];
	(tm) =	ssettm $0x1  }
0x91: {  	s18 =	sld [smem:$0x3FFB];
	_ =	sdelay $0x3  }
0x92: {  	_ =	strace s18  }
0x93: {  	s3 =	sld [smem:$0x3FFC];
	_ =	sdelay $0x3  }
0x94: {  	_ =	strace s3  }
0x95: {  	s3 =	sld [smem:$0x3FFD];
	_ =	sdelay $0x3  }
0x96: {  	_ =	strace s3  }
0x97: {  	_ =	strace $0x8FFFFFFF  }
0x98: {  	s19 =	sld [smem:$0x3FDB];
	_ =	sdelay $0x1  }
0x99: {  	s4 =	simm.s32 $_scs_section_size  }
0x9a: {  	s5 =	simm.s32 $_size__tile_overlayer_lowered;
	s6 =	simm.s32 $_tile_overlayer_lowered  }
0x9b: {  	s22 =	simm.s32 $0x1BFF;
	s21 =	sshll.u32 s6, $0x1;
	s3 =	sadd.s32 s4, s19  }
0x9c: {  	s7 =	simm.s32 $0x0;
	s20 =	sshll.u32 s5, $0x1;
	s5 =	sadd.s32 s21, s3  }
0x9d: {  	[timem:s7], [sflag:s22] =	dma.local [hbm:s5], s20  }
0x9e: {  	_ =	swait.ge [sflag:s22], s20  }
0x9f: {  	s4 =	ssub.s32 $0x0, s20;
	[sflag:s22] =	ssyncset.done $0x0  }
0xa0: {  	[sflag:s22] =	ssyncadd.s32 s4;
	_ =	sdelay $0x1  }
0xa1: {  	s23 =	simm.s32 $0x1B8B  }
0xa2: {  	_ =	swait.ge [sflag:s23], $0x1  }
0xa3: {  	[sflag:s23] =	ssyncset.done $0x0  }
0xa4: {  	s25 =	simm.s32 $0x1B8E;
	s24 =	sld [smem:$0x3FFE];
	[sflag:s23] =	ssyncadd.s32 $0xFFFFFFFF  }
0xa5: {  	s26 =	simm.s32 $execute0_lowered;
	[smem:$0x3FD2] =	sst s25  }
0xa6: {  	s5 =	sshll.u32 s26, $0x1;
	_ =	strace $0x80000046;
	[dreg:$0x1] =	wrdreg $0xFFFFFFFF  }
0xa7: {  	s28 =	simm.s32 $_size_execute0_lowered;
	s3 =	sadd.s32 s3, s5;
	[dreg:$0x0] =	wrdreg $0x0  }
0xa8: {  	s5 =	sshll.u32 s28, $0x1;
	[dreg:$0x2] =	wrdreg s3  }
0xa9: {  	[dreg:$0x3] =	wrdreg s5  }
0xaa: {  	[dreg:$0x4] =	wrdreg $0xC0  }
0xab: {  	_ =	task [dreg:s7], $0x5FFFF  }
0xac: {  	[dreg:$0x1] =	wrdreg $0xFFFFFFFF  }
0xad: {  	[dreg:$0x0] =	wrdreg $0x60  }
0xae: {  	[dreg:$0x2] =	wrdreg s2  }
0xaf: {  	[dreg:$0x3] =	wrdreg s24  }
0xb0: {  	[dreg:$0x4] =	wrdreg $0x9  }
0xb1: {  	_ =	task.clear_ibuf [dreg:s7], $0x5FFFF;
	_ =	strace $0x90000046  }
0xb2: {  	s29 =	simm.s32 $0x9;
	_ =	strace $0x80000048  }
0xb3: {  	_ =	swait.ge [sflag:s29], $0x1  }
0xb4: {  	[sflag:s29] =	ssyncadd.s32 $0xFFFFFFFF  }
0xb5: {  	_ =	strace $0x90000048  }
0xb6: {  	_ =	sfence  }
0xb7: {  	s30 =	sld [smem:$0x0];
	_ =	sdelay $0x2  }
0xb8: {  	s31 =	sshll.u32 s1, $0xD;
	s1 =	sshrl.u32 s1, $0x2  }
0xb9: {  	s3 =	sand.u32 $0x4000, s31;
	s1 =	sadd.s32 s1, s30  }
0xba: {  	s0 =	sor.u32 s3, s0;
	s1 =	sshll.u32 s1, $0x11  }
0xbb: {  	s0 =	sor.u32 s1, s0  }
0xbc: {  	s0 =	sadd.s32 $0x8F2B, s0  }
0xbd: {  	[sflag:s0] =	ssyncadd.remote.s32 $0x1  }
0xbe: {  	_ =	sfence.sel $0xFFFF  }
0xbf: {  	[dreg:$0x0] =	wrdreg $0xFFFFFFFF;
	(pc) =	sbr.abs _section_cstart, $3  }
0xc0: {  	[dreg:$0x1] =	wrdreg $0xFFFFFFFF  }
0xc1: {  	_ =	task.clear_ibuf [dreg:s7], $0x2FFFF;
	_ =	strace $0x9FFFFFFF  }
0xc2: {  	(tm) =	ssettm $0x7FFFFFFF  }
0xc3: {  	_ =	shalt  }
tec
execute0_lowered:
.L_overlay_start_1:
0x0: {  	(tag) =	ssettag $0x1  }
0x1: {  	s1 =	srdreg.scid;
	s0 =	stileid.u32  }
0x2: {  	s4 =	rddreg [dreg:$0x0];
	s3 =	sand.u32 $0x1, s1;
	s30 =	sshll.u32 s0, $0x1  }
0x3: {  	s6 =	rddreg [dreg:$0x1];
	s2 =	simm.s32 $0x0;
	s1 =	sor.u32 s3, s30  }
0x4: {  	s8 =	simm.s32 $0x400;
	s5 =	sshll.u32 s1, $0xC;
	s1 =	sshll.u32 s1, $0x7  }
0x5: {  	s9 =	simm.s32 $0x18000;
	s10 =	simm.s32 $0x0;
	s7 =	sor.u32 s1, s5  }
0x6: {  	s15 =	simm.s32 $0x0;
	s3 =	ssub.s32 $0x2, s3;
	s7 =	sand.u32 $0x18380, s7  }
0x7: {  	v0 =	vlaneseq.u32;
	[smem:$0x7FF] =	sst s2;
	s31 =	sshrl.u32 s3, $0x1;
	s7 =	sshrl.u32 s7, $0x3  }
0x8: {  	v1 =	vmul.u32 $0x1000, v0;
	s1 =	rddreg [dreg:$0x2];
	_ =	strace $0x80000047;
	s6 =	sadd.s32 s7, s6  }
0x9: {  	s7 =	ssub.s32 s3, s31;
	s3 =	sadd.s32 s4, s5;
	s4 =	sadd.s32 $0xC00, s6  }
0xa: {  	v2 =	vimm.s32 $0x1;
	v0 =	vimm.s32 $0x0;
	v1 =	vor.u32 $0x800, v1;
	s5 =	smax.u32 s7, $0x1;
	s6 =	simm.s32 $0x1;
	s7 =	simm.s32 $0x80  }
.LBB2_1:
0xb: {  	[tilespmem:s2], [sflag:$0x1] =	stream.linear.gather [hbm4b:s3+s2], $0x8000, $0x38;
	[tilespmem:$0x19000] =	vst v63  }
0xc: {  	_ =	swait.ge [sflag:s6], $0x8000  }
0xd: {  	[sflag:s6] =	ssyncset.done $0x0  }
0xe: {  	s11 =	simm.s32 $0x8020;
	[sflag:s6] =	ssyncadd.s32 $0xFFFF8000  }
0xf: {  	[tilespmem:s11+$0xFFFFFFE0] =	vst v0  }
0x10: {  	[tilespmem:s11+$0x10] =	vst v0  }
0x11: {  	s12 =	simm.s32 $0xFFFFFFFC;
	s13 =	simm.s32 $0x0;
	[tilespmem:s11+$0x0] =	vst v0  }
.LBB2_2:
0x12: {  	s13 =	sadd.s32 $0x4, s13  }
0x13: {  	[tilespmem:s11+$0xFFFFFFF0] =	vst v0;
	s11 =	sadd.s32 $0x40, s11;
	s14 =	simm.s32 $0x20;
	p0 =	slt.u32 s13, $0xFFC  }
.Ltmp0:
0x14: {  	[tilespmem:s11+$0xFFFFFFE0] =	vst v0;
	(pc) =	sbr.rel @p0 .LBB2_2-.Ltmp0, $3  }
0x15: {  	_ =	sdelay $0x1  }
0x16: {  	[tilespmem:s11+$0x10] =	vst v0  }
0x17: {  	[tilespmem:s11+$0x0] =	vst v0  }
0x18: {  	[tilespmem:s11+$0xFFFFFFF0] =	vst v0  }
.LBB2_4:
0x19: {  	v3 =	vld [tilespmem:s14+$0xFFFFFFE0];
	_ =	sdelay $0x4  }
0x1a: {  	v4 =	vshra.s32 v3, $0x1F  }
0x1b: {  	v4 =	vand.u32 $0x7FF00000, v4  }
0x1c: {  	v3 =	vxor.u32 v3, v4  }
0x1d: {  	v3 =	vshra.s32 v3, $0x14  }
0x1e: {  	v3 =	vadd.s32 v1, v3;
	_ =	sdelay $0x3  }
0x1f: {  	s13 =	simm.s32 $0x8000  }
0x20: {  	[tilespmem:v3+s13+$0x0] =	vst.idx.add.s32.msk $0xffff, v2  }
0x21: {  	v3 =	vld [tilespmem:s14+$0xFFFFFFF0];
	_ =	sdelay $0x4  }
0x22: {  	v61 =	vshra.s32 v3, $0x1F  }
0x23: {  	v4 =	vand.u32 $0x7FF00000, v61  }
0x24: {  	v3 =	vxor.u32 v3, v4  }
0x25: {  	v3 =	vshra.s32 v3, $0x14  }
0x26: {  	v3 =	vadd.s32 v1, v3;
	_ =	sdelay $0x4  }
0x27: {  	[tilespmem:v3+s13+$0x0] =	vst.idx.add.s32.msk $0xffff, v2  }
0x28: {  	v3 =	vld [tilespmem:s14+$0x0];
	_ =	sdelay $0x4  }
0x29: {  	v62 =	vshra.s32 v3, $0x1F  }
0x2a: {  	v4 =	vand.u32 $0x7FF00000, v62  }
0x2b: {  	v3 =	vxor.u32 v3, v4  }
0x2c: {  	v3 =	vshra.s32 v3, $0x14  }
0x2d: {  	v3 =	vadd.s32 v1, v3;
	_ =	sdelay $0x4  }
0x2e: {  	[tilespmem:v3+s13+$0x0] =	vst.idx.add.s32.msk $0xffff, v2  }
0x2f: {  	v3 =	vld [tilespmem:s14+$0x10];
	_ =	sdelay $0x4  }
0x30: {  	v63 =	vshra.s32 v3, $0x1F  }
0x31: {  	v4 =	vand.u32 $0x7FF00000, v63  }
0x32: {  	v3 =	vxor.u32 v3, v4  }
0x33: {  	s12 =	sadd.s32 $0x4, s12;
	v3 =	vshra.s32 v3, $0x14  }
0x34: {  	p0 =	slt.u32 s12, $0x7FC;
	v3 =	vadd.s32 v1, v3  }
.Ltmp1:
0x35: {  	_ = 	snop;
	(pc) =	sbr.rel @p0 .LBB2_4-.Ltmp1, $2  }
0x36: {  	_ =	sdelay $0x2  }
0x37: {  	s11 =	simm.s32 $0x18000;
	s14 =	sadd.s32 $0x40, s14;
	[tilespmem:v3+s13+$0x0] =	vst.idx.add.s32.msk $0xffff, v2  }
0x38: {  	s12 =	sand.u32 $0xFF0, s15;
	v4 =	vld [tilespmem:s13+$0x0]  }
0x39: {  	v3 =	vld [tilespmem:s12+$0x9000]  }
0x3a: {  	v5 =	vld [tilespmem:s12+$0xA000]  }
0x3b: {  	v6 =	vld [tilespmem:s12+$0xB000]  }
0x3c: {  	v7 =	vld [tilespmem:s12+$0xC000]  }
0x3d: {  	v8 =	vld [tilespmem:s12+$0xD000]  }
0x3e: {  	v3 =	vadd.s32 v4, v3;
	v4 =	vld [tilespmem:s12+$0xE000]  }
0x3f: {  	v3 =	vadd.s32 v5, v3;
	v5 =	vld [tilespmem:s12+$0xF000]  }
0x40: {  	v58 =	vld [tilespmem:s12+$0x10000];
	v3 =	vadd.s32 v6, v3  }
0x41: {  	v59 =	vld [tilespmem:s12+$0x11000];
	v3 =	vadd.s32 v7, v3  }
0x42: {  	v60 =	vld [tilespmem:s12+$0x12000];
	v3 =	vadd.s32 v8, v3  }
0x43: {  	v3 =	vadd.s32 v4, v3;
	v4 =	vld [tilespmem:s12+$0x13000]  }
0x44: {  	v3 =	vadd.s32 v5, v3;
	v5 =	vld [tilespmem:s12+$0x14000]  }
0x45: {  	v61 =	vld [tilespmem:s12+$0x15000];
	v3 =	vadd.s32 v58, v3  }
0x46: {  	v62 =	vld [tilespmem:s12+$0x16000];
	v3 =	vadd.s32 v59, v3  }
0x47: {  	v63 =	vld [tilespmem:s12+$0x17000];
	v3 =	vadd.s32 v60, v3  }
0x48: {  	v3 =	vadd.s32 v4, v3  }
0x49: {  	v3 =	vadd.s32 v5, v3  }
0x4a: {  	v3 =	vadd.s32 v61, v3  }
0x4b: {  	v3 =	vadd.s32 v62, v3  }
0x4c: {  	s14 =	sadd.s32 $0x10, s15;
	v3 =	vadd.s32 v63, v3  }
0x4d: {  	s12 =	sand.u32 $0xFF0, s14;
	[tilespmem:s11+$0x0] =	vst v3  }
0x4e: {  	s13 =	sadd.s32 $0x10, s13;
	s14 =	sadd.s32 $0x10, s14;
	v3 =	vld [tilespmem:s12+$0x9000]  }
.LBB2_6:
0x4f: {  	p0 =	sne.s32 s14, $0xFF0;
	v4 =	vld [tilespmem:s13+$0x0]  }
0x50: {  	v5 =	vld [tilespmem:s12+$0xA000]  }
0x51: {  	v6 =	vld [tilespmem:s12+$0xB000]  }
0x52: {  	v7 =	vld [tilespmem:s12+$0xC000]  }
0x53: {  	v8 =	vld [tilespmem:s12+$0xD000]  }
0x54: {  	v3 =	vadd.s32 v4, v3;
	v4 =	vld [tilespmem:s12+$0xE000]  }
0x55: {  	v3 =	vadd.s32 v5, v3;
	v5 =	vld [tilespmem:s12+$0xF000]  }
0x56: {  	v3 =	vadd.s32 v6, v3;
	v6 =	vld [tilespmem:s12+$0x10000]  }
0x57: {  	v3 =	vadd.s32 v7, v3;
	v7 =	vld [tilespmem:s12+$0x11000]  }
0x58: {  	v3 =	vadd.s32 v8, v3;
	v8 =	vld [tilespmem:s12+$0x12000]  }
0x59: {  	v3 =	vadd.s32 v4, v3;
	v4 =	vld [tilespmem:s12+$0x13000]  }
0x5a: {  	v3 =	vadd.s32 v5, v3;
	v5 =	vld [tilespmem:s12+$0x14000]  }
0x5b: {  	v3 =	vadd.s32 v6, v3;
	v6 =	vld [tilespmem:s12+$0x15000]  }
0x5c: {  	v3 =	vadd.s32 v7, v3;
	v7 =	vld [tilespmem:s12+$0x16000]  }
0x5d: {  	v3 =	vadd.s32 v8, v3;
	v8 =	vld [tilespmem:s12+$0x17000]  }
0x5e: {  	v3 =	vadd.s32 v4, v3  }
0x5f: {  	v3 =	vadd.s32 v5, v3  }
.Ltmp2:
0x60: {  	v3 =	vadd.s32 v6, v3;
	(pc) =	sbr.rel @p0 .LBB2_6-.Ltmp2, $4  }
0x61: {  	v3 =	vadd.s32 v7, v3  }
0x62: {  	s11 =	sadd.s32 $0x10, s11;
	v3 =	vadd.s32 v8, v3  }
0x63: {  	s12 =	sand.u32 $0xFF0, s14;
	[tilespmem:s11+$0x0] =	vst v3  }
0x64: {  	s13 =	sadd.s32 $0x10, s13;
	s14 =	sadd.s32 $0x10, s14;
	v3 =	vld [tilespmem:s12+$0x9000]  }
0x65: {  	v4 =	vld [tilespmem:s13+$0x0]  }
0x66: {  	v5 =	vld [tilespmem:s12+$0xA000]  }
0x67: {  	v6 =	vld [tilespmem:s12+$0xB000]  }
0x68: {  	v7 =	vld [tilespmem:s12+$0xC000]  }
0x69: {  	v8 =	vld [tilespmem:s12+$0xD000]  }
0x6a: {  	v54 =	vld [tilespmem:s12+$0xE000];
	v3 =	vadd.s32 v4, v3  }
0x6b: {  	v55 =	vld [tilespmem:s12+$0xF000];
	v3 =	vadd.s32 v5, v3  }
0x6c: {  	v56 =	vld [tilespmem:s12+$0x10000];
	v3 =	vadd.s32 v6, v3  }
0x6d: {  	v57 =	vld [tilespmem:s12+$0x11000];
	v3 =	vadd.s32 v7, v3  }
0x6e: {  	v58 =	vld [tilespmem:s12+$0x12000];
	v3 =	vadd.s32 v8, v3  }
0x6f: {  	v59 =	vld [tilespmem:s12+$0x13000];
	v3 =	vadd.s32 v54, v3  }
0x70: {  	v60 =	vld [tilespmem:s12+$0x14000];
	v3 =	vadd.s32 v55, v3  }
0x71: {  	v61 =	vld [tilespmem:s12+$0x15000];
	v3 =	vadd.s32 v56, v3  }
0x72: {  	v62 =	vld [tilespmem:s12+$0x16000];
	v3 =	vadd.s32 v57, v3  }
0x73: {  	v63 =	vld [tilespmem:s12+$0x17000];
	v3 =	vadd.s32 v58, v3  }
0x74: {  	v3 =	vadd.s32 v59, v3  }
0x75: {  	v3 =	vadd.s32 v60, v3  }
0x76: {  	v3 =	vadd.s32 v61, v3  }
0x77: {  	s10 =	sadd.s32 $0x1, s10;
	v3 =	vadd.s32 v62, v3  }
0x78: {  	s11 =	sadd.s32 $0x10, s11;
	p0 =	sne.s32 s10, s5;
	v3 =	vadd.s32 v63, v3  }
.Ltmp3:
0x79: {  	[tilespmem:s11+$0x0] =	vst v3;
	(pc) =	sbr.rel @p0 .LBB2_1-.Ltmp3, $4  }
0x7a: {  	[hbm4b:s4+s7] =	stream.strided.scatter [tilespmem:s9], [sflag:$0x1], $0x1000, s8, s7, $0x38;
	[tilespmem:$0x19000] =	vst v63  }
0x7b: {  	_ =	swait.ge [sflag:s6], $0x1000  }
0x7c: {  	[sflag:s6] =	ssyncset.done $0x0  }
0x7d: {  	[sflag:s6] =	ssyncadd.s32 $0xFFFFF000  }
0x7e: {  	_ =	sfence.sel $0x180000  }
0x7f: {  	[bflag:$0x0] =	sbarrier.arrive $0xFFFF  }
0x80: {  	p0 =	sne.s32 s0, $0x0;
	_ =	strace $0x90000047  }
0x81: {  	s0 =	sadd.s32 @!p0 $0x100000, s1;
	[bflag:$0x2] =	sbarrier.arrive $0xFFFF  }
0x82: {  	[sflag:s0] =	ssyncadd.tile.s32 @!p0 $0x1;
	_ =	shalt  }
.Lfunc_end2:
_tile_overlayer_lowered:
.L_overlay_start_2:
0x83: {  	(tag) =	ssettag $0x2  }
0x84: {  	s0 =	rddreg [dreg:$0x0];
	s2 =	stileid.u32  }
0x85: {  	s1 =	rddreg [dreg:$0x1];
	p0 =	sne.s32 s2, $0x0  }
0x86: {  	s3 =	rddreg [dreg:$0x2];
	[bflag:$0x3] =	sbarrier.arrive $0xFFFF;
	s2 =	simm.s32 @!p0 $0x1C01  }
0x87: {  	[timem:s3], [sflag:s2] =	dma.local @!p0 [hbm:s0], s1  }
0x88: {  	s0 =	simm.s32 @!p0 $0x1  }
0x89: {  	_ =	swait.ge @!p0 [sflag:s0], s1  }
0x8a: {  	s1 =	ssub.s32 @!p0 $0x0, s1;
	[sflag:s0] =	ssyncset.done @!p0 $0x0  }
0x8b: {  	[sflag:s0] =	ssyncadd.s32 @!p0 s1  }
0x8c: {  	[bflag:$0x3] =	sbarrier.arrive $0xFFFF  }
0x8d: {  	_ =	shalt  }

// kernel: kernel.9.cloned.1.call-start
scs
__scs_entry_jumppad:
0x0: {  	(pc) =	sbr.rel $0x88, $3  }
0x1: {  	(tag) =	ssettag $0x0;
	lr =	simm.s32 $0x1  }
0x2: {  	[smem:$0x3FA0] =	sst lr;
	_ =	strace $0xD0000000  }
0x3: {  	_ = 	snop  }
0x4: {  	_ = 	snop  }
0x5: {  	_ = 	snop  }
0x6: {  	_ = 	snop  }
0x7: {  	_ = 	snop  }
__scs_overlays_trampoline_lowered:
0x8: {  	[smem:$0x3FAF] =	sst s0  }
0x9: {  	[smem:$0x3FB0] =	sst s1  }
0xa: {  	[smem:$0x3FB1] =	sst s2  }
0xb: {  	[smem:$0x3FB2] =	sst s3  }
0xc: {  	[smem:$0x3FB3] =	sst s4  }
0xd: {  	[smem:$0x3FB4] =	sst s5  }
0xe: {  	[smem:$0x3FB5] =	sst s6  }
0xf: {  	[smem:$0x3FB6] =	sst s7  }
0x10: {  	[smem:$0x3FB7] =	sst s8  }
0x11: {  	[smem:$0x3FB8] =	sst s9;
	s0 =	simm.s32 @!p0 $0x0  }
0x12: {  	s1 =	sld [smem:$0x3F9E];
	s0 =	simm.s32 @p0 $0x1  }
0x13: {  	[smem:$0x3FB9] =	sst s0;
	s0 =	simm.s32 @!p1 $0x0  }
0x14: {  	s2 =	sld [smem:$0x3F9D];
	s0 =	simm.s32 @p1 $0x1  }
0x15: {  	[smem:$0x3FBA] =	sst s0;
	s0 =	simm.s32 @!p2 $0x0  }
0x16: {  	s3 =	sld [smem:$0x3FDB];
	s0 =	simm.s32 @p2 $0x1  }
0x17: {  	s4 =	simm.s32 $0x1BF5;
	[smem:$0x3FBC] =	sst s0  }
0x18: {  	s0 =	sld [smem:$0x3F9F];
	_ =	swait.ge [sflag:s4], $0x0  }
0x19: {  	s7 =	sld [smem:$0x3FA0]  }
0x1a: {  	s8 =	sadd.s32 $0xFFFFE003, lr  }
0x1b: {  	s9 =	sadd.s32 $0xFFFFFEF7, lr;
	s5 =	simm.s32 $0xFFFFFFFF;
	p2 =	slt.u32 s8, $0xFFFFF086  }
0x1c: {  	p1 =	slt.u32 s9, $0xF7A;
	s5 =	simm.s32 @!p2 $0x0  }
0x1d: {  	s5 =	simm.s32 @p1 $0x1;
	p0 =	seq.s32 s7, s2  }
0x1e: {  	s7 =	smul.u32 @!p0 $0xF7A, s2;
	p2 =	seq.s32 @!p0 s5, $0x0  }
0x1f: {  	s9 =	smul.u32 $0xF7A, s1;
	s8 =	simm.s32 @!p0 $0x1BF5;
	p2 =	por !p2, p0  }
0x20: {  	[sflag:s8] =	ssyncset.s32 @!p0 $0xFFFFF086;
	s6 =	sadd.s32 @!p0 s3, s7;
	s7 =	simm.s32 @!p0 $0x108  }
0x21: {  	s3 =	sadd.s32 s3, s9;
	s6 =	sadd.s32 @!p0 $0x88, s6;
	s7 =	simm.s32 @p2 $0x1082  }
0x22: {  	[simem:s7], [sflag:s8] =	dma.local @!p0 [hbm:s6], $0xF7A  }
0x23: {  	s9 =	sor.u32 $0xD0000000, s2;
	s6 =	simm.s32 $0x108;
	_ =	swait.ge @!p0 [sflag:s8], $0x0  }
0x24: {  	s3 =	sadd.s32 $0x88, s3;
	s6 =	simm.s32 @!p1 $0x1082;
	[sflag:s4] =	ssyncset.s32 $0xFFFFF086  }
0x25: {  	[simem:s6], [sflag:s4] =	dma.local [hbm:s3], $0xF7A  }
0x26: {  	[smem:$0x3FA0] =	sst s1;
	(tag) =	ssettag s2;
	_ =	strace s9  }
0x27: {  	s1 =	sld [smem:$0x3FB0]  }
0x28: {  	s2 =	sld [smem:$0x3FB1]  }
0x29: {  	s4 =	sld [smem:$0x3FB3]  }
0x2a: {  	p0 =	seq.s32 s5, $0x0;
	s5 =	sld [smem:$0x3FB4]  }
0x2b: {  	s6 =	sld [smem:$0x3FB5]  }
0x2c: {  	s7 =	sld [smem:$0x3FB6]  }
0x2d: {  	s3 =	simm.s32 $0x108;
	s8 =	sld [smem:$0x3FB7]  }
0x2e: {  	s3 =	simm.s32 @!p0 $0x1082;
	s9 =	sld [smem:$0x3FB8]  }
0x2f: {  	lr =	sadd.s32 s0, s3;
	s0 =	sld [smem:$0x3FAF]  }
0x30: {  	s3 =	sld [smem:$0x3FB2]  }
0x31: {  	[smem:$0x3FBB] =	sst s10  }
0x32: {  	s10 =	sld [smem:$0x3FB9];
	_ =	sdelay $0x3  }
0x33: {  	p0 =	seq.s32 s10, $0x1;
	s10 =	sld [smem:$0x3FBB];
	_ =	sdelay $0x3  }
0x34: {  	[smem:$0x3FBB] =	sst s10  }
0x35: {  	s10 =	sld [smem:$0x3FBA];
	_ =	sdelay $0x3  }
0x36: {  	p1 =	seq.s32 s10, $0x1;
	s10 =	sld [smem:$0x3FBB];
	_ =	sdelay $0x3  }
0x37: {  	[smem:$0x3FBB] =	sst s10  }
0x38: {  	s10 =	sld [smem:$0x3FBC]  }
0x39: {  	_ = 	snop;
	(pc) =	sbr.ind lr, $3  }
0x3a: {  	_ = 	snop  }
0x3b: {  	_ = 	snop  }
0x3c: {  	p2 =	seq.s32 s10, $0x1;
	s10 =	sld [smem:$0x3FBB]  }
0x3d: {  	_ =	shalt  }
0x3e: {  	_ =	shalt  }
0x3f: {  	_ =	shalt  }
0x40: {  	_ =	shalt  }
0x41: {  	_ =	shalt  }
0x42: {  	_ =	shalt  }
0x43: {  	_ =	shalt  }
0x44: {  	_ =	shalt  }
0x45: {  	_ =	shalt  }
0x46: {  	_ =	shalt  }
0x47: {  	_ =	shalt  }
0x48: {  	_ =	shalt  }
0x49: {  	_ =	shalt  }
0x4a: {  	_ =	shalt  }
0x4b: {  	_ =	shalt  }
0x4c: {  	_ =	shalt  }
0x4d: {  	_ =	shalt  }
0x4e: {  	_ =	shalt  }
0x4f: {  	_ =	shalt  }
0x50: {  	_ =	shalt  }
0x51: {  	_ =	shalt  }
0x52: {  	_ =	shalt  }
0x53: {  	_ =	shalt  }
0x54: {  	_ =	shalt  }
0x55: {  	_ =	shalt  }
0x56: {  	_ =	shalt  }
0x57: {  	_ =	shalt  }
0x58: {  	_ =	shalt  }
0x59: {  	_ =	shalt  }
0x5a: {  	_ =	shalt  }
0x5b: {  	_ =	shalt  }
0x5c: {  	_ =	shalt  }
0x5d: {  	_ =	shalt  }
0x5e: {  	_ =	shalt  }
0x5f: {  	_ =	shalt  }
0x60: {  	_ =	shalt  }
0x61: {  	_ =	shalt  }
0x62: {  	_ =	shalt  }
0x63: {  	_ =	shalt  }
0x64: {  	_ =	shalt  }
0x65: {  	_ =	shalt  }
0x66: {  	_ =	shalt  }
0x67: {  	_ =	shalt  }
0x68: {  	_ =	shalt  }
0x69: {  	_ =	shalt  }
0x6a: {  	_ =	shalt  }
0x6b: {  	_ =	shalt  }
0x6c: {  	_ =	shalt  }
0x6d: {  	_ =	shalt  }
0x6e: {  	_ =	shalt  }
0x6f: {  	_ =	shalt  }
0x70: {  	_ =	shalt  }
0x71: {  	_ =	shalt  }
0x72: {  	_ =	shalt  }
0x73: {  	_ =	shalt  }
0x74: {  	_ =	shalt  }
0x75: {  	_ =	shalt  }
0x76: {  	_ =	shalt  }
0x77: {  	_ =	shalt  }
0x78: {  	_ =	shalt  }
0x79: {  	_ =	shalt  }
0x7a: {  	_ =	shalt  }
0x7b: {  	_ =	shalt  }
0x7c: {  	_ =	shalt  }
0x7d: {  	_ =	shalt  }
0x7e: {  	_ =	shalt  }
0x7f: {  	_ =	shalt  }
0x80: {  	_ =	shalt  }
0x81: {  	_ =	shalt  }
0x82: {  	_ =	shalt  }
0x83: {  	_ =	shalt  }
0x84: {  	_ =	shalt  }
0x85: {  	_ =	shalt  }
0x86: {  	_ =	shalt  }
0x87: {  	_ =	shalt  }
.Lfunc_end0:
.L_simem_size_0:
called_computation.1_lowered:
.L_overlay_start_0:
0x88: {  	s2 =	sld [smem:$0x3FD9]  }
0x89: {  	s3 =	sld [smem:$0x3FFE];
	_ =	sdelay $0x1  }
0x8a: {  	s1 =	srdreg.scid  }
0x8b: {  	s0 =	sand.u32 $0x1, s1  }
0x8c: {  	s17 =	sshll.u32 s0, $0xA;
	s2 =	sadd.s32 s3, s2  }
0x8d: {  	s2 =	sadd.s32 s2, s17  }
0x8e: {  	[smem:$0x3FC7] =	sst s2  }
0x8f: {  	_ = 	snop  }
0x90: {  	s2 =	sld [smem:$0x3FC9]  }
0x91: {  	s18 =	sld [smem:$0x3FD0];
	(tm) =	ssettm $0x1  }
0x92: {  	s4 =	sld [smem:$0x3FFB];
	_ =	sdelay $0x3  }
0x93: {  	_ =	strace s4  }
0x94: {  	s4 =	sld [smem:$0x3FFC];
	_ =	sdelay $0x3  }
0x95: {  	_ =	strace s4  }
0x96: {  	s4 =	sld [smem:$0x3FFD];
	_ =	sdelay $0x3  }
0x97: {  	_ =	strace s4  }
0x98: {  	_ =	strace $0x8FFFFFFF  }
0x99: {  	s19 =	sld [smem:$0x3FDB];
	_ =	sdelay $0x1  }
0x9a: {  	s5 =	simm.s32 $_scs_section_size  }
0x9b: {  	s6 =	simm.s32 $_size__tile_overlayer_lowered;
	s7 =	simm.s32 $_tile_overlayer_lowered  }
0x9c: {  	s22 =	simm.s32 $0x1BFF;
	s21 =	sshll.u32 s7, $0x1;
	s4 =	sadd.s32 s5, s19  }
0x9d: {  	s8 =	simm.s32 $0x0;
	s20 =	sshll.u32 s6, $0x1;
	s6 =	sadd.s32 s21, s4  }
0x9e: {  	[timem:s8], [sflag:s22] =	dma.local [hbm:s6], s20  }
0x9f: {  	_ =	swait.ge [sflag:s22], s20  }
0xa0: {  	s5 =	ssub.s32 $0x0, s20;
	[sflag:s22] =	ssyncset.done $0x0  }
0xa1: {  	[sflag:s22] =	ssyncadd.s32 s5;
	_ =	sdelay $0x1  }
0xa2: {  	s23 =	simm.s32 $0x1B8B  }
0xa3: {  	_ =	swait.ge [sflag:s23], $0x1  }
0xa4: {  	[sflag:s23] =	ssyncset.done $0x0  }
0xa5: {  	s25 =	simm.s32 $0x1B8E;
	s24 =	sld [smem:$0x3FFE];
	[sflag:s23] =	ssyncadd.s32 $0xFFFFFFFF  }
0xa6: {  	s26 =	simm.s32 $execute0_lowered;
	[smem:$0x3FD2] =	sst s25  }
0xa7: {  	s6 =	sshll.u32 s26, $0x1;
	_ =	strace $0x80000049;
	[dreg:$0x1] =	wrdreg $0xFFFFFFFF  }
0xa8: {  	s28 =	simm.s32 $_size_execute0_lowered;
	s4 =	sadd.s32 s4, s6;
	[dreg:$0x0] =	wrdreg $0x0  }
0xa9: {  	s6 =	sshll.u32 s28, $0x1;
	[dreg:$0x2] =	wrdreg s4  }
0xaa: {  	[dreg:$0x3] =	wrdreg s6  }
0xab: {  	[dreg:$0x4] =	wrdreg $0xC0  }
0xac: {  	_ =	task [dreg:s8], $0x5FFFF  }
0xad: {  	[dreg:$0x1] =	wrdreg $0xFFFFFFFF  }
0xae: {  	[dreg:$0x0] =	wrdreg $0x60  }
0xaf: {  	[dreg:$0x2] =	wrdreg s2  }
0xb0: {  	[dreg:$0x3] =	wrdreg s18  }
0xb1: {  	[dreg:$0x4] =	wrdreg s24  }
0xb2: {  	[dreg:$0x5] =	wrdreg $0x9  }
0xb3: {  	_ =	task.clear_ibuf [dreg:s8], $0x6FFFF;
	_ =	strace $0x90000049  }
0xb4: {  	s29 =	simm.s32 $0x9;
	_ =	strace $0x8000004B  }
0xb5: {  	_ =	swait.ge [sflag:s29], $0x1  }
0xb6: {  	[sflag:s29] =	ssyncadd.s32 $0xFFFFFFFF  }
0xb7: {  	_ =	strace $0x9000004B  }
0xb8: {  	_ =	sfence  }
0xb9: {  	s30 =	sld [smem:$0x0];
	_ =	sdelay $0x2  }
0xba: {  	s31 =	sshll.u32 s1, $0xD;
	s1 =	sshrl.u32 s1, $0x2  }
0xbb: {  	s3 =	sand.u32 $0x4000, s31;
	s1 =	sadd.s32 s1, s30  }
0xbc: {  	s0 =	sor.u32 s3, s0;
	s1 =	sshll.u32 s1, $0x11  }
0xbd: {  	s0 =	sor.u32 s1, s0  }
0xbe: {  	s0 =	sadd.s32 $0x8F2B, s0  }
0xbf: {  	[sflag:s0] =	ssyncadd.remote.s32 $0x1  }
0xc0: {  	_ =	sfence.sel $0xFFFF  }
0xc1: {  	[dreg:$0x0] =	wrdreg $0xFFFFFFFF;
	(pc) =	sbr.abs _section_cstart, $3  }
0xc2: {  	[dreg:$0x1] =	wrdreg $0xFFFFFFFF  }
0xc3: {  	_ =	task.clear_ibuf [dreg:s8], $0x2FFFF;
	_ =	strace $0x9FFFFFFF  }
0xc4: {  	(tm) =	ssettm $0x7FFFFFFF  }
0xc5: {  	_ =	shalt  }
tec
execute0_lowered:
.L_overlay_start_1:
0x0: {  	(tag) =	ssettag $0x1  }
0x1: {  	s4 =	rddreg [dreg:$0x0]  }
0x2: {  	s2 =	rddreg [dreg:$0x1];
	s1 =	srdreg.scid  }
0x3: {  	s0 =	stileid.u32;
	s5 =	rddreg [dreg:$0x2];
	s11 =	simm.s32 $0x8000  }
0x4: {  	s12 =	simm.s32 $0x9000;
	s13 =	simm.s32 $0x80;
	s14 =	simm.s32 $0x400  }
0x5: {  	s15 =	simm.s32 $0xA000;
	s16 =	simm.s32 $0xA100;
	s17 =	simm.s32 $0xA200  }
0x6: {  	s18 =	simm.s32 $0x0;
	s6 =	sand.u32 $0x1, s1;
	s3 =	sshll.u32 s0, $0x1  }
0x7: {  	s1 =	rddreg [dreg:$0x3];
	s8 =	sshrl.u32 s0, $0x2;
	s7 =	sor.u32 s6, s3  }
0x8: {  	s3 =	simm.s32 $0x0;
	s10 =	sshll.u32 s8, $0xB;
	s8 =	sshll.u32 s8, $0xA  }
0x9: {  	s6 =	ssub.s32 $0x2, s6;
	s9 =	sshll.u32 s7, $0x7;
	[smem:$0x7FF] =	sst s3  }
0xa: {  	s30 =	sshrl.u32 s6, $0x1;
	s31 =	sshll.u32 s7, $0xC;
	s9 =	sand.u32 $0x380, s9  }
0xb: {  	_ =	strace $0x8000004A;
	s10 =	sor.u32 s10, s9;
	s8 =	sor.u32 s8, s9  }
0xc: {  	s4 =	sadd.s32 s4, s31;
	s10 =	sshrl.u32 s10, $0x3;
	s8 =	sshrl.u32 s8, $0x3  }
0xd: {  	s9 =	simm.s32 $0x1;
	s29 =	sadd.s32 s10, s5;
	s8 =	sadd.s32 s8, s5  }
0xe: {  	v0 =	vimm.s32 $0x0;
	v2 =	vlaneseq.u32;
	s10 =	ssub.s32 s6, s30;
	s5 =	sadd.s32 $0xC00, s29;
	s6 =	sadd.s32 $0x1200, s29  }
0xf: {  	v1 =	vimm.f32 $0.0e+00;
	v3 =	vimm.s32 $0x1;
	v2 =	vmul.u32 $0x100, v2;
	s7 =	sadd.s32 $0x1000, s8;
	s8 =	smax.u32 s10, $0x1;
	s10 =	simm.s32 $0xA280  }
.LBB2_1:
0x10: {  	[tilespmem:s3], [sflag:$0x1] =	stream.linear.gather [hbm4b:s4+s3], $0x8000, $0x38;
	[tilespmem:$0xA300] =	vst v63  }
0x11: {  	_ =	swait.ge [sflag:s9], $0x8000  }
0x12: {  	[sflag:s9] =	ssyncset.done $0x0  }
0x13: {  	[sflag:s9] =	ssyncadd.s32 $0xFFFF8000  }
0x14: {  	[tilespmem:s10], [sflag:$0x1] =	stream.linear.gather [hbm4b:s2+s3], $0x80, $0x38;
	[tilespmem:$0xA300] =	vst v63  }
0x15: {  	_ =	swait.ge [sflag:s9], $0x80  }
0x16: {  	[sflag:s9] =	ssyncset.done $0x0  }
0x17: {  	s20 =	simm.s32 $0x8020;
	[sflag:s9] =	ssyncadd.s32 $0xFFFFFF80  }
0x18: {  	s19 =	simm.s32 $0x9020;
	v4 =	vld [tilespmem:$0xA280];
	[tilespmem:s20+$0xFFFFFFE0] =	vst v0  }
0x19: {  	[tilespmem:s19+$0xFFFFFFE0] =	vst v1  }
0x1a: {  	[tilespmem:s20+$0xFFFFFFF0] =	vst v0  }
0x1b: {  	[tilespmem:s19+$0xFFFFFFF0] =	vst v1  }
0x1c: {  	[tilespmem:s20+$0x0] =	vst v0  }
0x1d: {  	[tilespmem:s19+$0x0] =	vst v1  }
0x1e: {  	[tilespmem:s20+$0x10] =	vst v0  }
0x1f: {  	s21 =	simm.s32 $0x8060;
	s20 =	simm.s32 $0x0;
	[tilespmem:s19+$0x10] =	vst v1  }
.LBB2_2:
0x20: {  	[tilespmem:s21+$0xFFFFFFE0] =	vst v0;
	s19 =	sadd.s32 $0x40, s19  }
0x21: {  	s20 =	sadd.s32 $0x4, s20;
	[tilespmem:s19+$0xFFFFFFE0] =	vst v1  }
0x22: {  	p0 =	slt.u32 s20, $0xFC;
	[tilespmem:s21+$0xFFFFFFF0] =	vst v0  }
.Ltmp0:
0x23: {  	[tilespmem:s19+$0xFFFFFFF0] =	vst v1;
	(pc) =	sbr.rel @p0 .LBB2_2-.Ltmp0, $4  }
0x24: {  	[tilespmem:s21+$0x0] =	vst v0  }
0x25: {  	[tilespmem:s19+$0x0] =	vst v1  }
0x26: {  	[tilespmem:s21+$0x10] =	vst v0  }
0x27: {  	s21 =	sadd.s32 $0x40, s21;
	[tilespmem:s19+$0x10] =	vst v1  }
0x28: {  	v4 =	vbroadcast v4, $0x0;
	v5 =	vimm.f32 $0.0e+00;
	s19 =	simm.s32 $0xFFFFFFFE;
	s20 =	simm.s32 $0x10  }
.LBB2_4:
0x29: {  	v6 =	vld [tilespmem:s20+$0xFFFFFFF0];
	_ =	sdelay $0x4  }
0x2a: {  	v7 =	vshra.s32 v6, $0x1F  }
0x2b: {  	v7 =	vand.u32 $0x7FFFFFFF, v7  }
0x2c: {  	v7 =	vxor.u32 v6, v7  }
0x2d: {  	v8 =	vshra.s32 v7, $0x14  }
0x2e: {  	v7 =	vshrl.u32 v7, $0xC;
	v8 =	vadd.s32 $0x800, v8  }
0x2f: {  	v7 =	vand.u32 $0xFF, v7;
	vm0 =	veq.s32 v8, v4  }
0x30: {  	v7 =	vor.u32 v2, v7;
	_ =	sdelay $0x4  }
0x31: {  	[tilespmem:v7+s11+$0x0] =	vst.idx.add.s32.msk vm0, v3  }
0x32: {  	[tilespmem:v7+s12+$0x0] =	vst.idx.add.f32.msk vm0, v6  }
0x33: {  	v7 =	vld [tilespmem:s20+$0x0];
	_ =	sdelay $0x4  }
0x34: {  	v9 =	vshra.s32 v7, $0x1F  }
0x35: {  	v9 =	vand.u32 $0x7FFFFFFF, v9  }
0x36: {  	v9 =	vxor.u32 v7, v9  }
0x37: {  	v10 =	vshra.s32 v9, $0x14  }
0x38: {  	v9 =	vshrl.u32 v9, $0xC;
	v10 =	vadd.s32 $0x800, v10  }
0x39: {  	v9 =	vand.u32 $0xFF, v9;
	vm14 =	veq.s32 v10, v4  }
0x3a: {  	s19 =	sadd.s32 $0x2, s19;
	v9 =	vor.u32 v2, v9  }
0x3b: {  	p0 =	slt.u32 s19, $0x7FE  }
.Ltmp1:
0x3c: {  	vm1 =	vlt.s32 v8, v4;
	(pc) =	sbr.rel @p0 .LBB2_4-.Ltmp1, $4  }
0x3d: {  	v6 =	vnsel vm1, $0x0, v6  }
0x3e: {  	v5 =	vadd.f32 v6, v5;
	vm15 =	vlt.s32 v10, v4  }
0x3f: {  	v6 =	vnsel vm15, $0x0, v7;
	[tilespmem:v9+s11+$0x0] =	vst.idx.add.s32.msk vm14, v3  }
0x40: {  	s20 =	sadd.s32 $0x20, s20;
	v5 =	vadd.f32 v6, v5;
	[tilespmem:v9+s12+$0x0] =	vst.idx.add.f32.msk vm14, v7  }
0x41: {  	_ = 	snop  }
0x42: {  	s19 =	simm.s32 $0x0;
	[tilespmem:$0xA200] =	vst v5  }
0x43: {  	v4 =	vld [tilespmem:s19+$0x9000]  }
0x44: {  	v5 =	vld [tilespmem:s19+$0x9100]  }
0x45: {  	v6 =	vld [tilespmem:s19+$0x8000]  }
0x46: {  	v7 =	vld [tilespmem:s19+$0x9200]  }
0x47: {  	v8 =	vld [tilespmem:s19+$0x8100]  }
0x48: {  	v9 =	vld [tilespmem:s19+$0x9300]  }
0x49: {  	v10 =	vld [tilespmem:s19+$0x9400];
	v4 =	vadd.f32 v5, v4  }
0x4a: {  	v11 =	vld [tilespmem:s19+$0x9500]  }
0x4b: {  	v12 =	vld [tilespmem:s19+$0x9600];
	v4 =	vadd.f32 v7, v4  }
0x4c: {  	v13 =	vld [tilespmem:s19+$0x9700]  }
0x4d: {  	v14 =	vld [tilespmem:s19+$0x9800];
	v4 =	vadd.f32 v9, v4  }
0x4e: {  	v60 =	vld [tilespmem:s19+$0x8700]  }
0x4f: {  	v15 =	vld [tilespmem:s19+$0x9900];
	v4 =	vadd.f32 v10, v4  }
0x50: {  	v61 =	vld [tilespmem:s19+$0x8800]  }
0x51: {  	v16 =	vld [tilespmem:s19+$0x9A00];
	v4 =	vadd.f32 v11, v4  }
0x52: {  	v62 =	vld [tilespmem:s19+$0x8900]  }
0x53: {  	v5 =	vld [tilespmem:s19+$0x8200];
	v4 =	vadd.f32 v12, v4  }
0x54: {  	v6 =	vadd.s32 v6, v8;
	v8 =	vld [tilespmem:s19+$0x9B00]  }
0x55: {  	v7 =	vld [tilespmem:s19+$0x8300];
	v4 =	vadd.f32 v13, v4  }
0x56: {  	v9 =	vld [tilespmem:s19+$0x8400]  }
0x57: {  	v10 =	vld [tilespmem:s19+$0x8500];
	v4 =	vadd.f32 v14, v4  }
0x58: {  	v11 =	vld [tilespmem:s19+$0x8600]  }
0x59: {  	v63 =	vld [tilespmem:s19+$0x9E00];
	v5 =	vadd.s32 v5, v6;
	v4 =	vadd.f32 v15, v4  }
0x5a: {  	v5 =	vadd.s32 v7, v5;
	v7 =	vld [tilespmem:s19+$0x9C00]  }
0x5b: {  	v6 =	vld [tilespmem:s19+$0x8A00];
	v5 =	vadd.s32 v9, v5;
	v4 =	vadd.f32 v16, v4  }
0x5c: {  	v5 =	vadd.s32 v10, v5;
	v10 =	vld [tilespmem:s19+$0x9D00]  }
0x5d: {  	v9 =	vld [tilespmem:s19+$0x8B00];
	v5 =	vadd.s32 v11, v5;
	v4 =	vadd.f32 v8, v4  }
0x5e: {  	v11 =	vld [tilespmem:s19+$0x8C00];
	v5 =	vadd.s32 v60, v5  }
0x5f: {  	v8 =	vadd.s32 v61, v5;
	v5 =	vld [tilespmem:s19+$0x8D00];
	v4 =	vadd.f32 v7, v4  }
0x60: {  	v8 =	vadd.s32 v62, v8;
	v7 =	vld [tilespmem:s19+$0x9F00]  }
0x61: {  	v8 =	vadd.s32 v6, v8;
	v6 =	vld [tilespmem:s19+$0x8E00];
	v10 =	vadd.f32 v10, v4  }
0x62: {  	s21 =	simm.s32 $0x10;
	v4 =	vadd.s32 v9, v8;
	v8 =	vld [tilespmem:s19+$0x8F00]  }
0x63: {  	s20 =	simm.s32 $0x80;
	v9 =	vadd.s32 v11, v4;
	v4 =	vld [tilespmem:s21+$0x9000];
	v10 =	vadd.f32 v63, v10  }
.LBB2_6:
0x64: {  	p0 =	sne.s32 s20, $0x3C0;
	v11 =	vld [tilespmem:s21+$0x9100];
	v5 =	vadd.s32 v5, v9  }
0x65: {  	v9 =	vld [tilespmem:s21+$0x8000];
	v7 =	vadd.f32 v7, v10  }
0x66: {  	v10 =	vld [tilespmem:s21+$0x9200];
	v5 =	vadd.s32 v6, v5  }
0x67: {  	v6 =	vld [tilespmem:s21+$0x8100];
	v5 =	vadd.s32 v8, v5;
	[tilespmem:s19+$0xA100] =	vst v7  }
0x68: {  	v7 =	vld [tilespmem:s21+$0x9300];
	[tilespmem:s19+$0xA000] =	vst v5;
	s19 =	smov.u32 s21  }
0x69: {  	v4 =	vadd.f32 v11, v4;
	v5 =	vld [tilespmem:s19+$0x8200]  }
0x6a: {  	v8 =	vld [tilespmem:s19+$0x9400]  }
0x6b: {  	v4 =	vadd.f32 v10, v4;
	v10 =	vld [tilespmem:s19+$0x8300]  }
0x6c: {  	v6 =	vadd.s32 v9, v6;
	v9 =	vld [tilespmem:s19+$0x9500]  }
0x6d: {  	v4 =	vadd.f32 v7, v4;
	v7 =	vld [tilespmem:s19+$0x8400]  }
0x6e: {  	v5 =	vadd.s32 v5, v6;
	v6 =	vld [tilespmem:s19+$0x9600]  }
0x6f: {  	v4 =	vadd.f32 v8, v4;
	v8 =	vld [tilespmem:s19+$0x8500]  }
0x70: {  	v5 =	vadd.s32 v10, v5;
	v10 =	vld [tilespmem:s19+$0x9700]  }
0x71: {  	v4 =	vadd.f32 v9, v4;
	v9 =	vld [tilespmem:s19+$0x8600]  }
0x72: {  	v5 =	vadd.s32 v7, v5;
	v7 =	vld [tilespmem:s19+$0x9800]  }
0x73: {  	v4 =	vadd.f32 v6, v4;
	v6 =	vld [tilespmem:s19+$0x8700]  }
0x74: {  	v5 =	vadd.s32 v8, v5;
	v8 =	vld [tilespmem:s19+$0x9900]  }
0x75: {  	v4 =	vadd.f32 v10, v4;
	v10 =	vld [tilespmem:s19+$0x8800]  }
0x76: {  	v5 =	vadd.s32 v9, v5;
	v9 =	vld [tilespmem:s19+$0x9A00]  }
0x77: {  	v4 =	vadd.f32 v7, v4;
	v7 =	vld [tilespmem:s19+$0x8900]  }
0x78: {  	v5 =	vadd.s32 v6, v5;
	v6 =	vld [tilespmem:s19+$0x9B00]  }
0x79: {  	v4 =	vadd.f32 v8, v4;
	v8 =	vld [tilespmem:s19+$0x8A00]  }
0x7a: {  	v5 =	vadd.s32 v10, v5;
	v10 =	vld [tilespmem:s19+$0x9C00]  }
0x7b: {  	v4 =	vadd.f32 v9, v4;
	v9 =	vld [tilespmem:s19+$0x8B00]  }
0x7c: {  	v5 =	vadd.s32 v7, v5;
	v11 =	vld [tilespmem:s19+$0x9D00]  }
0x7d: {  	v4 =	vadd.f32 v6, v4;
	v12 =	vld [tilespmem:s19+$0x8C00]  }
0x7e: {  	v6 =	vadd.s32 v8, v5;
	v13 =	vld [tilespmem:s19+$0x9E00]  }
.Ltmp2:
0x7f: {  	v4 =	vadd.f32 v10, v4;
	v5 =	vld [tilespmem:s19+$0x8D00];
	(pc) =	sbr.rel @p0 .LBB2_6-.Ltmp2, $4  }
0x80: {  	v8 =	vadd.s32 v9, v6;
	v7 =	vld [tilespmem:s19+$0x9F00]  }
0x81: {  	v10 =	vadd.f32 v11, v4;
	v6 =	vld [tilespmem:s19+$0x8E00]  }
0x82: {  	s21 =	sshra.s32 s20, $0x2;
	v9 =	vadd.s32 v12, v8;
	v8 =	vld [tilespmem:s19+$0x8F00]  }
0x83: {  	s20 =	sadd.s32 $0x40, s20;
	v4 =	vld [tilespmem:s21+$0x9000];
	v10 =	vadd.f32 v13, v10  }
0x84: {  	v11 =	vld [tilespmem:s21+$0x9100]  }
0x85: {  	v12 =	vld [tilespmem:s21+$0x8000];
	v5 =	vadd.s32 v5, v9;
	v7 =	vadd.f32 v7, v10  }
0x86: {  	v42 =	vld [tilespmem:s21+$0x9200];
	v5 =	vadd.s32 v6, v5  }
0x87: {  	v43 =	vld [tilespmem:s21+$0x8100];
	[tilespmem:s19+$0xA100] =	vst v7;
	v5 =	vadd.s32 v8, v5  }
0x88: {  	v44 =	vld [tilespmem:s21+$0x9300];
	[tilespmem:s19+$0xA000] =	vst v5  }
0x89: {  	v5 =	vld [tilespmem:s21+$0x8200]  }
0x8a: {  	v7 =	vld [tilespmem:s21+$0x9400]  }
0x8b: {  	v4 =	vadd.f32 v11, v4;
	v45 =	vld [tilespmem:s21+$0x8300]  }
0x8c: {  	v46 =	vld [tilespmem:s21+$0x9500]  }
0x8d: {  	v47 =	vld [tilespmem:s21+$0x8400];
	v4 =	vadd.f32 v42, v4  }
0x8e: {  	v48 =	vld [tilespmem:s21+$0x9600]  }
0x8f: {  	v49 =	vld [tilespmem:s21+$0x8500];
	v4 =	vadd.f32 v44, v4  }
0x90: {  	v13 =	vld [tilespmem:s21+$0x9700]  }
0x91: {  	v50 =	vld [tilespmem:s21+$0x8600];
	v4 =	vadd.f32 v7, v4  }
0x92: {  	v14 =	vld [tilespmem:s21+$0x9800]  }
0x93: {  	v51 =	vld [tilespmem:s21+$0x8700];
	v4 =	vadd.f32 v46, v4  }
0x94: {  	v15 =	vld [tilespmem:s21+$0x9900]  }
0x95: {  	v52 =	vld [tilespmem:s21+$0x8800];
	v4 =	vadd.f32 v48, v4  }
0x96: {  	v16 =	vld [tilespmem:s21+$0x9A00]  }
0x97: {  	v53 =	vld [tilespmem:s21+$0x8900];
	v4 =	vadd.f32 v13, v4  }
0x98: {  	v17 =	vld [tilespmem:s21+$0x9B00]  }
0x99: {  	v9 =	vadd.s32 v12, v43;
	v54 =	vld [tilespmem:s21+$0x8A00];
	v4 =	vadd.f32 v14, v4  }
0x9a: {  	v55 =	vld [tilespmem:s21+$0x9C00];
	v5 =	vadd.s32 v5, v9  }
0x9b: {  	v56 =	vld [tilespmem:s21+$0x8B00];
	v5 =	vadd.s32 v45, v5;
	v4 =	vadd.f32 v15, v4  }
0x9c: {  	v57 =	vld [tilespmem:s21+$0x9D00];
	v5 =	vadd.s32 v47, v5  }
0x9d: {  	v58 =	vld [tilespmem:s21+$0x8C00];
	v5 =	vadd.s32 v49, v5;
	v4 =	vadd.f32 v16, v4  }
0x9e: {  	v59 =	vld [tilespmem:s21+$0x9E00];
	v5 =	vadd.s32 v50, v5  }
0x9f: {  	v60 =	vld [tilespmem:s21+$0x8D00];
	v5 =	vadd.s32 v51, v5;
	v4 =	vadd.f32 v17, v4  }
0xa0: {  	v61 =	vld [tilespmem:s21+$0x9F00];
	v5 =	vadd.s32 v52, v5  }
0xa1: {  	v62 =	vld [tilespmem:s21+$0x8E00];
	v5 =	vadd.s32 v53, v5;
	v4 =	vadd.f32 v55, v4  }
0xa2: {  	v63 =	vld [tilespmem:s21+$0x8F00];
	v5 =	vadd.s32 v54, v5  }
0xa3: {  	v5 =	vadd.s32 v56, v5;
	v4 =	vadd.f32 v57, v4  }
0xa4: {  	v5 =	vadd.s32 v58, v5  }
0xa5: {  	v5 =	vadd.s32 v60, v5;
	v4 =	vadd.f32 v59, v4  }
0xa6: {  	v5 =	vadd.s32 v62, v5  }
0xa7: {  	v5 =	vadd.s32 v63, v5;
	v4 =	vadd.f32 v61, v4  }
0xa8: {  	[tilespmem:s21+$0xA000] =	vst v5  }
0xa9: {  	[tilespmem:s21+$0xA100] =	vst v4  }
0xaa: {  	[hbm4b:s5+s13] =	stream.strided.scatter [tilespmem:s15], [sflag:$0x1], $0x100, s14, s13, $0x38;
	[tilespmem:$0xA300] =	vst v63  }
0xab: {  	_ =	swait.ge [sflag:s9], $0x100  }
0xac: {  	[sflag:s9] =	ssyncset.done $0x0  }
0xad: {  	[sflag:s9] =	ssyncadd.s32 $0xFFFFFF00  }
0xae: {  	[hbm4b:s6+s13] =	stream.strided.scatter [tilespmem:s16], [sflag:$0x1], $0x100, s14, s13, $0x38;
	[tilespmem:$0xA300] =	vst v63  }
0xaf: {  	s18 =	sadd.s32 $0x1, s18;
	_ =	swait.ge [sflag:s9], $0x100  }
0xb0: {  	p0 =	sne.s32 s18, s8;
	[sflag:s9] =	ssyncset.done $0x0  }
.Ltmp3:
0xb1: {  	[sflag:s9] =	ssyncadd.s32 $0xFFFFFF00;
	(pc) =	sbr.rel @p0 .LBB2_1-.Ltmp3, $4  }
0xb2: {  	[hbm4b:s7+s3] =	stream.linear.scatter [tilespmem:s17], [sflag:$0x1], $0x80, $0x38;
	[tilespmem:$0xA300] =	vst v63  }
0xb3: {  	_ =	swait.ge [sflag:s9], $0x80  }
0xb4: {  	[sflag:s9] =	ssyncset.done $0x0  }
0xb5: {  	[sflag:s9] =	ssyncadd.s32 $0xFFFFFF80  }
0xb6: {  	_ =	sfence.sel $0x180000  }
0xb7: {  	[bflag:$0x0] =	sbarrier.arrive $0xFFFF  }
0xb8: {  	p0 =	sne.s32 s0, $0x0;
	_ =	strace $0x9000004A  }
0xb9: {  	s0 =	sadd.s32 @!p0 $0x100000, s1;
	[bflag:$0x2] =	sbarrier.arrive $0xFFFF  }
0xba: {  	[sflag:s0] =	ssyncadd.tile.s32 @!p0 $0x1;
	_ =	shalt  }
.Lfunc_end2:
_tile_overlayer_lowered:
.L_overlay_start_2:
0xbb: {  	(tag) =	ssettag $0x2  }
0xbc: {  	s0 =	rddreg [dreg:$0x0];
	s2 =	stileid.u32  }
0xbd: {  	s1 =	rddreg [dreg:$0x1];
	p0 =	sne.s32 s2, $0x0  }
0xbe: {  	s3 =	rddreg [dreg:$0x2];
	[bflag:$0x3] =	sbarrier.arrive $0xFFFF;
	s2 =	simm.s32 @!p0 $0x1C01  }
0xbf: {  	[timem:s3], [sflag:s2] =	dma.local @!p0 [hbm:s0], s1  }
0xc0: {  	s0 =	simm.s32 @!p0 $0x1  }
0xc1: {  	_ =	swait.ge @!p0 [sflag:s0], s1  }
0xc2: {  	s1 =	ssub.s32 @!p0 $0x0, s1;
	[sflag:s0] =	ssyncset.done @!p0 $0x0  }
0xc3: {  	[sflag:s0] =	ssyncadd.s32 @!p0 s1  }
0xc4: {  	[bflag:$0x3] =	sbarrier.arrive $0xFFFF  }
0xc5: {  	_ =	shalt  }

</sc_bundles>
